<compile_context>
chip_gen: v7x
topology: tpu7x:2x2x1
jax: 0.10.2.dev20260603
libtpu: 0.0.44.dev20260713+nightly
codegen_flags: <defaults>
</compile_context>

<pallas_src>
import functools

import jax
import jax.numpy as jnp
from jax import lax
from jax.experimental import pallas as pl
from jax.experimental.pallas import tpu as pltpu
from jax.experimental.pallas import tpu_sc as plsc

_CHUNK = 64
_G = 5
_NBLK = 2
_HEAD = 2


@functools.lru_cache(maxsize=None)
def _make_gather(V, D, B, NC, NS):
    NW = NC * NS
    assert B % (NW * _CHUNK) == 0
    b_per_w = B // NW
    n_chunks = b_per_w // _CHUNK
    blk_rows = _G * _CHUNK
    assert n_chunks % _G == 0
    n_blocks = n_chunks // _G
    assert n_blocks % _NBLK == 0
    n_groups = n_blocks // _NBLK
    mesh = plsc.VectorSubcoreMesh(core_axis_name="c", subcore_axis_name="s")

    @functools.partial(
        pl.kernel,
        mesh=mesh,
        out_type=jax.ShapeDtypeStruct((B, D), jnp.float32),
        scratch_types=(
            [pltpu.VMEM((n_chunks, _CHUNK), jnp.int32)]
            + [pltpu.VMEM((blk_rows, D), jnp.float32) for _ in range(_NBLK)]
            + [pltpu.SemaphoreType.DMA for _ in range(_NBLK * _G)]
            + [pltpu.SemaphoreType.DMA for _ in range(2 * _NBLK)]
        ),
    )
    def gather_kernel(table_hbm, idx_hbm, out_hbm, idx_v, *rest):
        bufs = rest[:_NBLK]
        gsems = rest[_NBLK : _NBLK + _NBLK * _G]
        ssems = rest[_NBLK + _NBLK * _G :]
        wid = lax.axis_index("s") * NC + lax.axis_index("c")
        row_base = wid * b_per_w
        pltpu.sync_copy(idx_hbm.at[wid], idx_v)

        def gather_args(blk, b, j):
            return (
                table_hbm.at[idx_v.at[blk * _G + j]],
                bufs[b].at[pl.ds(j * _CHUNK, _CHUNK)],
                gsems[b * _G + j],
            )

        def start_gathers(blk, b):
            for j in range(_G):
                pltpu.async_copy(*gather_args(blk, b, j))

        def wait_gather(blk, b, j):
            pltpu.make_async_copy(*gather_args(blk, b, j)).wait()

        head_rows = _HEAD * _CHUNK
        tail_rows = blk_rows - head_rows

        def scatter_args(blk, b, half):
            lo = half * head_rows
            n = head_rows if half == 0 else tail_rows
            return (
                bufs[b].at[pl.ds(lo, n)],
                out_hbm.at[pl.ds(row_base + blk * blk_rows + lo, n)],
                ssems[2 * b + half],
            )

        def start_scatter(blk, b, half):
            pltpu.async_copy(*scatter_args(blk, b, half))

        def wait_scatter(blk, b, half):
            pltpu.make_async_copy(*scatter_args(blk, b, half)).wait()

        def drain_block(blk, b):
            for j in range(_HEAD):
                wait_gather(blk, b, j)
            start_scatter(blk, b, 0)
            for j in range(_HEAD, _G):
                wait_gather(blk, b, j)
            start_scatter(blk, b, 1)

        for b in range(_NBLK):
            start_gathers(b, b)

        def group(g, carry):
            blk0 = g * _NBLK
            for b in range(_NBLK):
                drain_block(blk0 + b, b)
            for b in range(_NBLK):
                wait_scatter(blk0 + b, b, 0)
                wait_scatter(blk0 + b, b, 1)
                start_gathers(blk0 + _NBLK + b, b)
            return carry

        lax.fori_loop(0, n_groups - 1, group, 0)

        blk0 = (n_groups - 1) * _NBLK
        for b in range(_NBLK):
            drain_block(blk0 + b, b)
        for b in range(_NBLK):
            wait_scatter(blk0 + b, b, 0)
            wait_scatter(blk0 + b, b, 1)

    return gather_kernel


def kernel(token_ids, embeddings):
    Bt, S = token_ids.shape
    V, D = embeddings.shape
    B = Bt * S
    info = plsc.get_sparse_core_info()
    NC, NS = info.num_cores, info.num_subcores
    NW = NC * NS
    idx = token_ids.astype(jnp.int32).reshape(NW, B // (NW * _CHUNK), _CHUNK)
    out = _make_gather(V, D, B, NC, NS)(embeddings, idx)
    return out.reshape(Bt, S, D)

# --- scband reference (transcript-rebuilt; emitter-appended) ---
"""Pipeline reference for scband-embedding-87247965651653 (READ-ONLY COPY).

The authoritative reference and input builder live on the scoring server;
editing this copy changes nothing except your own understanding.
"""

import jax, jax.numpy as jnp
import numpy as np

NUM_EMBEDDINGS = 100000
EMBEDDING_DIM = 128

def setup_inputs(seed: int = 0) -> dict:
    key = jax.random.key(seed)
    k_idx, k_tab = jax.random.split(key)
    token_ids = jax.random.randint(k_idx, (1024, 200), 0, NUM_EMBEDDINGS, dtype=jnp.int64 if jax.config.jax_enable_x64 else jnp.int32)
    # trunc_normal_(std=1.0, a=-3.0, b=-3.0..3.0) equivalent
    embeddings = jax.random.truncated_normal(k_tab, -3.0, 3.0, (NUM_EMBEDDINGS, EMBEDDING_DIM), dtype=jnp.float32) * 1.0
    return {"token_ids": token_ids, "embeddings": embeddings}

def reference(token_ids, embeddings):
    # Faithful translation of Embedding.forward: self.embeddings[token_ids]
    out = jnp.take(embeddings, token_ids, axis=0)
    return out

if __name__ == "__main__":
    import jax
    _d = setup_inputs()
    print(jax.jit(kernel)(*tuple(_d.values())))

</pallas_src>

<mosaic_0001>
#map = affine_map<(d0, d1) -> (0, 0)>
#map1 = affine_map<(d0, d1) -> (0, 0, 0)>
module attributes {stable_mosaic.version = 14 : i64} {
  func.func @gather_kernel(%arg0: i32, %arg1: i32, %arg2: memref<100000x128xf32, #tpu.memory_space<hbm>>, %arg3: memref<32x100x64xi32, #tpu.memory_space<hbm>>, %arg4: memref<204800x128xf32, #tpu.memory_space<hbm>>, %arg5: memref<100x64xi32, #tpu.memory_space<vmem>>, %arg6: memref<320x128xf32, #tpu.memory_space<vmem>>, %arg7: memref<320x128xf32, #tpu.memory_space<vmem>>, %arg8: memref<!tpu.dma_semaphore, #tpu.memory_space<semaphore_mem>>, %arg9: memref<!tpu.dma_semaphore, #tpu.memory_space<semaphore_mem>>, %arg10: memref<!tpu.dma_semaphore, #tpu.memory_space<semaphore_mem>>, %arg11: memref<!tpu.dma_semaphore, #tpu.memory_space<semaphore_mem>>, %arg12: memref<!tpu.dma_semaphore, #tpu.memory_space<semaphore_mem>>, %arg13: memref<!tpu.dma_semaphore, #tpu.memory_space<semaphore_mem>>, %arg14: memref<!tpu.dma_semaphore, #tpu.memory_space<semaphore_mem>>, %arg15: memref<!tpu.dma_semaphore, #tpu.memory_space<semaphore_mem>>, %arg16: memref<!tpu.dma_semaphore, #tpu.memory_space<semaphore_mem>>, %arg17: memref<!tpu.dma_semaphore, #tpu.memory_space<semaphore_mem>>, %arg18: memref<!tpu.dma_semaphore, #tpu.memory_space<semaphore_mem>>, %arg19: memref<!tpu.dma_semaphore, #tpu.memory_space<semaphore_mem>>, %arg20: memref<!tpu.dma_semaphore, #tpu.memory_space<semaphore_mem>>, %arg21: memref<!tpu.dma_semaphore, #tpu.memory_space<semaphore_mem>>) attributes {dimension_semantics = [#tpu.dimension_semantics<core_parallel>, #tpu.dimension_semantics<subcore_parallel>], iteration_bounds = array<i64: 2, 16>, scalar_prefetch = 0 : i64, scratch_operands = 17 : i64, tpu.core_type = #tpu.core_type<sc_vector_subcore>, window_params = [{transform_indices = #map}, {transform_indices = #map1}, {transform_indices = #map}]} {
    %mul3A = arith.constant 2 : i32
    %mul3A_0 = arith.muli %arg1, %mul3A : i32
    %add3A = arith.addi %mul3A_0, %arg0 : i32
    %mul3A_1 = arith.constant 6400 : i32
    %mul3A_2 = arith.muli %add3A, %mul3A_1 : i32
    "tpu.region"() ({
      %run_scoped3A = tpu.sem_alloc : memref<!tpu.dma_semaphore, #tpu.memory_space<semaphore_mem>>
      %dma_start3A_318 = arith.constant 0 : i32
      %dma_start3A_319 = arith.constant 0 : i32
      %dma_start3A_320 = tpu.memref_slice %arg3[%add3A, %dma_start3A_318, %dma_start3A_319] : memref<32x100x64xi32, #tpu.memory_space<hbm>> -> memref<1x100x64xi32, #tpu.memory_space<hbm>>
      %dma_start3A_321 = tpu.memref_squeeze %dma_start3A_320 : memref<1x100x64xi32, #tpu.memory_space<hbm>> -> memref<100x64xi32, #tpu.memory_space<hbm>>
      %dma_start3A_322 = arith.constant 0 : i32
      %dma_start3A_323 = arith.constant 0 : i32
      %dma_start3A_324 = tpu.memref_slice %arg3[%add3A, %dma_start3A_322, %dma_start3A_323] : memref<32x100x64xi32, #tpu.memory_space<hbm>> -> memref<1x100x64xi32, #tpu.memory_space<hbm>>
      %dma_start3A_325 = tpu.memref_squeeze %dma_start3A_324 : memref<1x100x64xi32, #tpu.memory_space<hbm>> -> memref<100x64xi32, #tpu.memory_space<hbm>>
      tpu.enqueue_dma source(%dma_start3A_325 : memref<100x64xi32, #tpu.memory_space<hbm>>) target(%arg5 : memref<100x64xi32, #tpu.memory_space<vmem>>) target_semaphore(%run_scoped3A : memref<!tpu.dma_semaphore, #tpu.memory_space<semaphore_mem>>)
      %dma_wait3A_326 = arith.constant 0 : i32
      %dma_wait3A_327 = arith.constant 0 : i32
      %dma_wait3A_328 = tpu.memref_slice %arg3[%add3A, %dma_wait3A_326, %dma_wait3A_327] : memref<32x100x64xi32, #tpu.memory_space<hbm>> -> memref<1x100x64xi32, #tpu.memory_space<hbm>>
      %dma_wait3A_329 = tpu.memref_squeeze %dma_wait3A_328 : memref<1x100x64xi32, #tpu.memory_space<hbm>> -> memref<100x64xi32, #tpu.memory_space<hbm>>
      %dma_wait3A_330 = arith.constant 0 : i32
      %dma_wait3A_331 = arith.constant 0 : i32
      %dma_wait3A_332 = tpu.memref_slice %arg3[%add3A, %dma_wait3A_330, %dma_wait3A_331] : memref<32x100x64xi32, #tpu.memory_space<hbm>> -> memref<1x100x64xi32, #tpu.memory_space<hbm>>
      %dma_wait3A_333 = tpu.memref_squeeze %dma_wait3A_332 : memref<1x100x64xi32, #tpu.memory_space<hbm>> -> memref<100x64xi32, #tpu.memory_space<hbm>>
      tpu.wait_dma2 semaphore(%run_scoped3A : memref<!tpu.dma_semaphore, #tpu.memory_space<semaphore_mem>>) src(%dma_wait3A_333 : memref<100x64xi32, #tpu.memory_space<hbm>>) dst(%arg5 : memref<100x64xi32, #tpu.memory_space<vmem>>)
      tpu.yield
    }) : () -> ()
    %dma_start3A = arith.constant 0 : i32
    %dma_start3A_3 = arith.constant 0 : i32
    %dma_start3A_4 = arith.constant 0 : i32
    %dma_start3A_5 = tpu.memref_slice %arg6[%dma_start3A_3, %dma_start3A_4] : memref<320x128xf32, #tpu.memory_space<vmem>> -> memref<64x128xf32, #tpu.memory_space<vmem>>
    %dma_start3A_6 = arith.constant 0 : i32
    %dma_start3A_7 = tpu.memref_slice %arg5[%dma_start3A, %dma_start3A_6] : memref<100x64xi32, #tpu.memory_space<vmem>> -> memref<1x64xi32, #tpu.memory_space<vmem>>
    %dma_start3A_8 = tpu.memref_squeeze %dma_start3A_7 : memref<1x64xi32, #tpu.memory_space<vmem>> -> memref<64xi32, #tpu.memory_space<vmem>>
    %dma_start3A_9 = arith.constant 0 : i32
    %dma_start3A_10 = arith.constant 0 : i32
    %dma_start3A_11 = tpu.memref_slice %arg2[%dma_start3A_9, %dma_start3A_10] : memref<100000x128xf32, #tpu.memory_space<hbm>> -> memref<100000x128xf32, #tpu.memory_space<hbm>>
    tpu.enqueue_indirect_dma source(%dma_start3A_11 : memref<100000x128xf32, #tpu.memory_space<hbm>>) target(%dma_start3A_5 : memref<64x128xf32, #tpu.memory_space<vmem>>) offsets(%dma_start3A_8 : memref<64xi32, #tpu.memory_space<vmem>>) semaphore(%arg8 : memref<!tpu.dma_semaphore, #tpu.memory_space<semaphore_mem>>)
    %dma_start3A_12 = arith.constant 1 : i32
    %dma_start3A_13 = arith.constant 64 : i32
    %dma_start3A_14 = arith.constant 0 : i32
    %dma_start3A_15 = tpu.memref_slice %arg6[%dma_start3A_13, %dma_start3A_14] : memref<320x128xf32, #tpu.memory_space<vmem>> -> memref<64x128xf32, #tpu.memory_space<vmem>>
    %dma_start3A_16 = arith.constant 0 : i32
    %dma_start3A_17 = tpu.memref_slice %arg5[%dma_start3A_12, %dma_start3A_16] : memref<100x64xi32, #tpu.memory_space<vmem>> -> memref<1x64xi32, #tpu.memory_space<vmem>>
    %dma_start3A_18 = tpu.memref_squeeze %dma_start3A_17 : memref<1x64xi32, #tpu.memory_space<vmem>> -> memref<64xi32, #tpu.memory_space<vmem>>
    %dma_start3A_19 = arith.constant 0 : i32
    %dma_start3A_20 = arith.constant 0 : i32
    %dma_start3A_21 = tpu.memref_slice %arg2[%dma_start3A_19, %dma_start3A_20] : memref<100000x128xf32, #tpu.memory_space<hbm>> -> memref<100000x128xf32, #tpu.memory_space<hbm>>
    tpu.enqueue_indirect_dma source(%dma_start3A_21 : memref<100000x128xf32, #tpu.memory_space<hbm>>) target(%dma_start3A_15 : memref<64x128xf32, #tpu.memory_space<vmem>>) offsets(%dma_start3A_18 : memref<64xi32, #tpu.memory_space<vmem>>) semaphore(%arg9 : memref<!tpu.dma_semaphore, #tpu.memory_space<semaphore_mem>>)
    %dma_start3A_22 = arith.constant 2 : i32
    %dma_start3A_23 = arith.constant 128 : i32
    %dma_start3A_24 = arith.constant 0 : i32
    %dma_start3A_25 = tpu.memref_slice %arg6[%dma_start3A_23, %dma_start3A_24] : memref<320x128xf32, #tpu.memory_space<vmem>> -> memref<64x128xf32, #tpu.memory_space<vmem>>
    %dma_start3A_26 = arith.constant 0 : i32
    %dma_start3A_27 = tpu.memref_slice %arg5[%dma_start3A_22, %dma_start3A_26] : memref<100x64xi32, #tpu.memory_space<vmem>> -> memref<1x64xi32, #tpu.memory_space<vmem>>
    %dma_start3A_28 = tpu.memref_squeeze %dma_start3A_27 : memref<1x64xi32, #tpu.memory_space<vmem>> -> memref<64xi32, #tpu.memory_space<vmem>>
    %dma_start3A_29 = arith.constant 0 : i32
    %dma_start3A_30 = arith.constant 0 : i32
    %dma_start3A_31 = tpu.memref_slice %arg2[%dma_start3A_29, %dma_start3A_30] : memref<100000x128xf32, #tpu.memory_space<hbm>> -> memref<100000x128xf32, #tpu.memory_space<hbm>>
    tpu.enqueue_indirect_dma source(%dma_start3A_31 : memref<100000x128xf32, #tpu.memory_space<hbm>>) target(%dma_start3A_25 : memref<64x128xf32, #tpu.memory_space<vmem>>) offsets(%dma_start3A_28 : memref<64xi32, #tpu.memory_space<vmem>>) semaphore(%arg10 : memref<!tpu.dma_semaphore, #tpu.memory_space<semaphore_mem>>)
    %dma_start3A_32 = arith.constant 3 : i32
    %dma_start3A_33 = arith.constant 192 : i32
    %dma_start3A_34 = arith.constant 0 : i32
    %dma_start3A_35 = tpu.memref_slice %arg6[%dma_start3A_33, %dma_start3A_34] : memref<320x128xf32, #tpu.memory_space<vmem>> -> memref<64x128xf32, #tpu.memory_space<vmem>>
    %dma_start3A_36 = arith.constant 0 : i32
    %dma_start3A_37 = tpu.memref_slice %arg5[%dma_start3A_32, %dma_start3A_36] : memref<100x64xi32, #tpu.memory_space<vmem>> -> memref<1x64xi32, #tpu.memory_space<vmem>>
    %dma_start3A_38 = tpu.memref_squeeze %dma_start3A_37 : memref<1x64xi32, #tpu.memory_space<vmem>> -> memref<64xi32, #tpu.memory_space<vmem>>
    %dma_start3A_39 = arith.constant 0 : i32
    %dma_start3A_40 = arith.constant 0 : i32
    %dma_start3A_41 = tpu.memref_slice %arg2[%dma_start3A_39, %dma_start3A_40] : memref<100000x128xf32, #tpu.memory_space<hbm>> -> memref<100000x128xf32, #tpu.memory_space<hbm>>
    tpu.enqueue_indirect_dma source(%dma_start3A_41 : memref<100000x128xf32, #tpu.memory_space<hbm>>) target(%dma_start3A_35 : memref<64x128xf32, #tpu.memory_space<vmem>>) offsets(%dma_start3A_38 : memref<64xi32, #tpu.memory_space<vmem>>) semaphore(%arg11 : memref<!tpu.dma_semaphore, #tpu.memory_space<semaphore_mem>>)
    %dma_start3A_42 = arith.constant 4 : i32
    %dma_start3A_43 = arith.constant 256 : i32
    %dma_start3A_44 = arith.constant 0 : i32
    %dma_start3A_45 = tpu.memref_slice %arg6[%dma_start3A_43, %dma_start3A_44] : memref<320x128xf32, #tpu.memory_space<vmem>> -> memref<64x128xf32, #tpu.memory_space<vmem>>
    %dma_start3A_46 = arith.constant 0 : i32
    %dma_start3A_47 = tpu.memref_slice %arg5[%dma_start3A_42, %dma_start3A_46] : memref<100x64xi32, #tpu.memory_space<vmem>> -> memref<1x64xi32, #tpu.memory_space<vmem>>
    %dma_start3A_48 = tpu.memref_squeeze %dma_start3A_47 : memref<1x64xi32, #tpu.memory_space<vmem>> -> memref<64xi32, #tpu.memory_space<vmem>>
    %dma_start3A_49 = arith.constant 0 : i32
    %dma_start3A_50 = arith.constant 0 : i32
    %dma_start3A_51 = tpu.memref_slice %arg2[%dma_start3A_49, %dma_start3A_50] : memref<100000x128xf32, #tpu.memory_space<hbm>> -> memref<100000x128xf32, #tpu.memory_space<hbm>>
    tpu.enqueue_indirect_dma source(%dma_start3A_51 : memref<100000x128xf32, #tpu.memory_space<hbm>>) target(%dma_start3A_45 : memref<64x128xf32, #tpu.memory_space<vmem>>) offsets(%dma_start3A_48 : memref<64xi32, #tpu.memory_space<vmem>>) semaphore(%arg12 : memref<!tpu.dma_semaphore, #tpu.memory_space<semaphore_mem>>)
    %dma_start3A_52 = arith.constant 5 : i32
    %dma_start3A_53 = arith.constant 0 : i32
    %dma_start3A_54 = arith.constant 0 : i32
    %dma_start3A_55 = tpu.memref_slice %arg7[%dma_start3A_53, %dma_start3A_54] : memref<320x128xf32, #tpu.memory_space<vmem>> -> memref<64x128xf32, #tpu.memory_space<vmem>>
    %dma_start3A_56 = arith.constant 0 : i32
    %dma_start3A_57 = tpu.memref_slice %arg5[%dma_start3A_52, %dma_start3A_56] : memref<100x64xi32, #tpu.memory_space<vmem>> -> memref<1x64xi32, #tpu.memory_space<vmem>>
    %dma_start3A_58 = tpu.memref_squeeze %dma_start3A_57 : memref<1x64xi32, #tpu.memory_space<vmem>> -> memref<64xi32, #tpu.memory_space<vmem>>
    %dma_start3A_59 = arith.constant 0 : i32
    %dma_start3A_60 = arith.constant 0 : i32
    %dma_start3A_61 = tpu.memref_slice %arg2[%dma_start3A_59, %dma_start3A_60] : memref<100000x128xf32, #tpu.memory_space<hbm>> -> memref<100000x128xf32, #tpu.memory_space<hbm>>
    tpu.enqueue_indirect_dma source(%dma_start3A_61 : memref<100000x128xf32, #tpu.memory_space<hbm>>) target(%dma_start3A_55 : memref<64x128xf32, #tpu.memory_space<vmem>>) offsets(%dma_start3A_58 : memref<64xi32, #tpu.memory_space<vmem>>) semaphore(%arg13 : memref<!tpu.dma_semaphore, #tpu.memory_space<semaphore_mem>>)
    %dma_start3A_62 = arith.constant 6 : i32
    %dma_start3A_63 = arith.constant 64 : i32
    %dma_start3A_64 = arith.constant 0 : i32
    %dma_start3A_65 = tpu.memref_slice %arg7[%dma_start3A_63, %dma_start3A_64] : memref<320x128xf32, #tpu.memory_space<vmem>> -> memref<64x128xf32, #tpu.memory_space<vmem>>
    %dma_start3A_66 = arith.constant 0 : i32
    %dma_start3A_67 = tpu.memref_slice %arg5[%dma_start3A_62, %dma_start3A_66] : memref<100x64xi32, #tpu.memory_space<vmem>> -> memref<1x64xi32, #tpu.memory_space<vmem>>
    %dma_start3A_68 = tpu.memref_squeeze %dma_start3A_67 : memref<1x64xi32, #tpu.memory_space<vmem>> -> memref<64xi32, #tpu.memory_space<vmem>>
    %dma_start3A_69 = arith.constant 0 : i32
    %dma_start3A_70 = arith.constant 0 : i32
    %dma_start3A_71 = tpu.memref_slice %arg2[%dma_start3A_69, %dma_start3A_70] : memref<100000x128xf32, #tpu.memory_space<hbm>> -> memref<100000x128xf32, #tpu.memory_space<hbm>>
    tpu.enqueue_indirect_dma source(%dma_start3A_71 : memref<100000x128xf32, #tpu.memory_space<hbm>>) target(%dma_start3A_65 : memref<64x128xf32, #tpu.memory_space<vmem>>) offsets(%dma_start3A_68 : memref<64xi32, #tpu.memory_space<vmem>>) semaphore(%arg14 : memref<!tpu.dma_semaphore, #tpu.memory_space<semaphore_mem>>)
    %dma_start3A_72 = arith.constant 7 : i32
    %dma_start3A_73 = arith.constant 128 : i32
    %dma_start3A_74 = arith.constant 0 : i32
    %dma_start3A_75 = tpu.memref_slice %arg7[%dma_start3A_73, %dma_start3A_74] : memref<320x128xf32, #tpu.memory_space<vmem>> -> memref<64x128xf32, #tpu.memory_space<vmem>>
    %dma_start3A_76 = arith.constant 0 : i32
    %dma_start3A_77 = tpu.memref_slice %arg5[%dma_start3A_72, %dma_start3A_76] : memref<100x64xi32, #tpu.memory_space<vmem>> -> memref<1x64xi32, #tpu.memory_space<vmem>>
    %dma_start3A_78 = tpu.memref_squeeze %dma_start3A_77 : memref<1x64xi32, #tpu.memory_space<vmem>> -> memref<64xi32, #tpu.memory_space<vmem>>
    %dma_start3A_79 = arith.constant 0 : i32
    %dma_start3A_80 = arith.constant 0 : i32
    %dma_start3A_81 = tpu.memref_slice %arg2[%dma_start3A_79, %dma_start3A_80] : memref<100000x128xf32, #tpu.memory_space<hbm>> -> memref<100000x128xf32, #tpu.memory_space<hbm>>
    tpu.enqueue_indirect_dma source(%dma_start3A_81 : memref<100000x128xf32, #tpu.memory_space<hbm>>) target(%dma_start3A_75 : memref<64x128xf32, #tpu.memory_space<vmem>>) offsets(%dma_start3A_78 : memref<64xi32, #tpu.memory_space<vmem>>) semaphore(%arg15 : memref<!tpu.dma_semaphore, #tpu.memory_space<semaphore_mem>>)
    %dma_start3A_82 = arith.constant 8 : i32
    %dma_start3A_83 = arith.constant 192 : i32
    %dma_start3A_84 = arith.constant 0 : i32
    %dma_start3A_85 = tpu.memref_slice %arg7[%dma_start3A_83, %dma_start3A_84] : memref<320x128xf32, #tpu.memory_space<vmem>> -> memref<64x128xf32, #tpu.memory_space<vmem>>
    %dma_start3A_86 = arith.constant 0 : i32
    %dma_start3A_87 = tpu.memref_slice %arg5[%dma_start3A_82, %dma_start3A_86] : memref<100x64xi32, #tpu.memory_space<vmem>> -> memref<1x64xi32, #tpu.memory_space<vmem>>
    %dma_start3A_88 = tpu.memref_squeeze %dma_start3A_87 : memref<1x64xi32, #tpu.memory_space<vmem>> -> memref<64xi32, #tpu.memory_space<vmem>>
    %dma_start3A_89 = arith.constant 0 : i32
    %dma_start3A_90 = arith.constant 0 : i32
    %dma_start3A_91 = tpu.memref_slice %arg2[%dma_start3A_89, %dma_start3A_90] : memref<100000x128xf32, #tpu.memory_space<hbm>> -> memref<100000x128xf32, #tpu.memory_space<hbm>>
    tpu.enqueue_indirect_dma source(%dma_start3A_91 : memref<100000x128xf32, #tpu.memory_space<hbm>>) target(%dma_start3A_85 : memref<64x128xf32, #tpu.memory_space<vmem>>) offsets(%dma_start3A_88 : memref<64xi32, #tpu.memory_space<vmem>>) semaphore(%arg16 : memref<!tpu.dma_semaphore, #tpu.memory_space<semaphore_mem>>)
    %dma_start3A_92 = arith.constant 9 : i32
    %dma_start3A_93 = arith.constant 256 : i32
    %dma_start3A_94 = arith.constant 0 : i32
    %dma_start3A_95 = tpu.memref_slice %arg7[%dma_start3A_93, %dma_start3A_94] : memref<320x128xf32, #tpu.memory_space<vmem>> -> memref<64x128xf32, #tpu.memory_space<vmem>>
    %dma_start3A_96 = arith.constant 0 : i32
    %dma_start3A_97 = tpu.memref_slice %arg5[%dma_start3A_92, %dma_start3A_96] : memref<100x64xi32, #tpu.memory_space<vmem>> -> memref<1x64xi32, #tpu.memory_space<vmem>>
    %dma_start3A_98 = tpu.memref_squeeze %dma_start3A_97 : memref<1x64xi32, #tpu.memory_space<vmem>> -> memref<64xi32, #tpu.memory_space<vmem>>
    %dma_start3A_99 = arith.constant 0 : i32
    %dma_start3A_100 = arith.constant 0 : i32
    %dma_start3A_101 = tpu.memref_slice %arg2[%dma_start3A_99, %dma_start3A_100] : memref<100000x128xf32, #tpu.memory_space<hbm>> -> memref<100000x128xf32, #tpu.memory_space<hbm>>
    tpu.enqueue_indirect_dma source(%dma_start3A_101 : memref<100000x128xf32, #tpu.memory_space<hbm>>) target(%dma_start3A_95 : memref<64x128xf32, #tpu.memory_space<vmem>>) offsets(%dma_start3A_98 : memref<64xi32, #tpu.memory_space<vmem>>) semaphore(%arg17 : memref<!tpu.dma_semaphore, #tpu.memory_space<semaphore_mem>>)
    %scan3A = arith.constant 0 : i32
    %scan3A_102 = arith.constant 0 : i32
    %scan3A_103 = arith.constant 9 : i32
    %scan3A_104 = arith.addi %scan3A_102, %scan3A_103 : i32
    %scan3A_105 = arith.constant 1 : i32
    scf.for %scan3A_318 = %scan3A_102 to %scan3A_104 step %scan3A_105  : i32 {
      %mul3A_319 = arith.constant 2 : i32
      %mul3A_320 = arith.muli %scan3A_318, %mul3A_319 : i32
      %add3A_321 = arith.constant 0 : i32
      %add3A_322 = arith.addi %mul3A_320, %add3A_321 : i32
      %mul3A_323 = arith.constant 5 : i32
      %mul3A_324 = arith.muli %add3A_322, %mul3A_323 : i32
      %add3A_325 = arith.constant 0 : i32
      %add3A_326 = arith.addi %mul3A_324, %add3A_325 : i32
      %dma_wait3A_327 = arith.constant 0 : i32
      %dma_wait3A_328 = arith.constant 0 : i32
      %dma_wait3A_329 = tpu.memref_slice %arg6[%dma_wait3A_327, %dma_wait3A_328] : memref<320x128xf32, #tpu.memory_space<vmem>> -> memref<64x128xf32, #tpu.memory_space<vmem>>
      %dma_wait3A_330 = arith.constant 0 : i32
      %dma_wait3A_331 = tpu.memref_slice %arg5[%add3A_326, %dma_wait3A_330] : memref<100x64xi32, #tpu.memory_space<vmem>> -> memref<1x64xi32, #tpu.memory_space<vmem>>
      %dma_wait3A_332 = tpu.memref_squeeze %dma_wait3A_331 : memref<1x64xi32, #tpu.memory_space<vmem>> -> memref<64xi32, #tpu.memory_space<vmem>>
      %dma_wait3A_333 = arith.constant 0 : i32
      %dma_wait3A_334 = arith.constant 0 : i32
      %dma_wait3A_335 = tpu.memref_slice %arg2[%dma_wait3A_333, %dma_wait3A_334] : memref<100000x128xf32, #tpu.memory_space<hbm>> -> memref<100000x128xf32, #tpu.memory_space<hbm>>
      tpu.wait_indirect_dma semaphore(%arg8 : memref<!tpu.dma_semaphore, #tpu.memory_space<semaphore_mem>>) src(%dma_wait3A_335 : memref<100000x128xf32, #tpu.memory_space<hbm>>) dst(%dma_wait3A_329 : memref<64x128xf32, #tpu.memory_space<vmem>>)
      %mul3A_336 = arith.constant 5 : i32
      %mul3A_337 = arith.muli %add3A_322, %mul3A_336 : i32
      %add3A_338 = arith.constant 1 : i32
      %add3A_339 = arith.addi %mul3A_337, %add3A_338 : i32
      %dma_wait3A_340 = arith.constant 64 : i32
      %dma_wait3A_341 = arith.constant 0 : i32
      %dma_wait3A_342 = tpu.memref_slice %arg6[%dma_wait3A_340, %dma_wait3A_341] : memref<320x128xf32, #tpu.memory_space<vmem>> -> memref<64x128xf32, #tpu.memory_space<vmem>>
      %dma_wait3A_343 = arith.constant 0 : i32
      %dma_wait3A_344 = tpu.memref_slice %arg5[%add3A_339, %dma_wait3A_343] : memref<100x64xi32, #tpu.memory_space<vmem>> -> memref<1x64xi32, #tpu.memory_space<vmem>>
      %dma_wait3A_345 = tpu.memref_squeeze %dma_wait3A_344 : memref<1x64xi32, #tpu.memory_space<vmem>> -> memref<64xi32, #tpu.memory_space<vmem>>
      %dma_wait3A_346 = arith.constant 0 : i32
      %dma_wait3A_347 = arith.constant 0 : i32
      %dma_wait3A_348 = tpu.memref_slice %arg2[%dma_wait3A_346, %dma_wait3A_347] : memref<100000x128xf32, #tpu.memory_space<hbm>> -> memref<100000x128xf32, #tpu.memory_space<hbm>>
      tpu.wait_indirect_dma semaphore(%arg9 : memref<!tpu.dma_semaphore, #tpu.memory_space<semaphore_mem>>) src(%dma_wait3A_348 : memref<100000x128xf32, #tpu.memory_space<hbm>>) dst(%dma_wait3A_342 : memref<64x128xf32, #tpu.memory_space<vmem>>)
      %mul3A_349 = arith.constant 320 : i32
      %mul3A_350 = arith.muli %add3A_322, %mul3A_349 : i32
      %add3A_351 = arith.addi %mul3A_2, %mul3A_350 : i32
      %add3A_352 = arith.constant 0 : i32
      %add3A_353 = arith.addi %add3A_351, %add3A_352 : i32
      %dma_start3A_354 = arith.constant 0 : i32
      %dma_start3A_355 = arith.constant 0 : i32
      %dma_start3A_356 = tpu.memref_slice %arg6[%dma_start3A_354, %dma_start3A_355] : memref<320x128xf32, #tpu.memory_space<vmem>> -> memref<128x128xf32, #tpu.memory_space<vmem>>
      %dma_start3A_357 = arith.constant 0 : i32
      %dma_start3A_358 = tpu.memref_slice %arg4[%add3A_353, %dma_start3A_357] : memref<204800x128xf32, #tpu.memory_space<hbm>> -> memref<128x128xf32, #tpu.memory_space<hbm>>
      %dma_start3A_359 = arith.constant 0 : i32
      %dma_start3A_360 = tpu.memref_slice %arg4[%add3A_353, %dma_start3A_359] : memref<204800x128xf32, #tpu.memory_space<hbm>> -> memref<128x128xf32, #tpu.memory_space<hbm>>
      %dma_start3A_361 = arith.constant 0 : i32
      %dma_start3A_362 = arith.constant 0 : i32
      %dma_start3A_363 = tpu.memref_slice %arg6[%dma_start3A_361, %dma_start3A_362] : memref<320x128xf32, #tpu.memory_space<vmem>> -> memref<128x128xf32, #tpu.memory_space<vmem>>
      tpu.enqueue_dma source(%dma_start3A_363 : memref<128x128xf32, #tpu.memory_space<vmem>>) target(%dma_start3A_360 : memref<128x128xf32, #tpu.memory_space<hbm>>) target_semaphore(%arg18 : memref<!tpu.dma_semaphore, #tpu.memory_space<semaphore_mem>>)
      %mul3A_364 = arith.constant 5 : i32
      %mul3A_365 = arith.muli %add3A_322, %mul3A_364 : i32
      %add3A_366 = arith.constant 2 : i32
      %add3A_367 = arith.addi %mul3A_365, %add3A_366 : i32
      %dma_wait3A_368 = arith.constant 128 : i32
      %dma_wait3A_369 = arith.constant 0 : i32
      %dma_wait3A_370 = tpu.memref_slice %arg6[%dma_wait3A_368, %dma_wait3A_369] : memref<320x128xf32, #tpu.memory_space<vmem>> -> memref<64x128xf32, #tpu.memory_space<vmem>>
      %dma_wait3A_371 = arith.constant 0 : i32
      %dma_wait3A_372 = tpu.memref_slice %arg5[%add3A_367, %dma_wait3A_371] : memref<100x64xi32, #tpu.memory_space<vmem>> -> memref<1x64xi32, #tpu.memory_space<vmem>>
      %dma_wait3A_373 = tpu.memref_squeeze %dma_wait3A_372 : memref<1x64xi32, #tpu.memory_space<vmem>> -> memref<64xi32, #tpu.memory_space<vmem>>
      %dma_wait3A_374 = arith.constant 0 : i32
      %dma_wait3A_375 = arith.constant 0 : i32
      %dma_wait3A_376 = tpu.memref_slice %arg2[%dma_wait3A_374, %dma_wait3A_375] : memref<100000x128xf32, #tpu.memory_space<hbm>> -> memref<100000x128xf32, #tpu.memory_space<hbm>>
      tpu.wait_indirect_dma semaphore(%arg10 : memref<!tpu.dma_semaphore, #tpu.memory_space<semaphore_mem>>) src(%dma_wait3A_376 : memref<100000x128xf32, #tpu.memory_space<hbm>>) dst(%dma_wait3A_370 : memref<64x128xf32, #tpu.memory_space<vmem>>)
      %mul3A_377 = arith.constant 5 : i32
      %mul3A_378 = arith.muli %add3A_322, %mul3A_377 : i32
      %add3A_379 = arith.constant 3 : i32
      %add3A_380 = arith.addi %mul3A_378, %add3A_379 : i32
      %dma_wait3A_381 = arith.constant 192 : i32
      %dma_wait3A_382 = arith.constant 0 : i32
      %dma_wait3A_383 = tpu.memref_slice %arg6[%dma_wait3A_381, %dma_wait3A_382] : memref<320x128xf32, #tpu.memory_space<vmem>> -> memref<64x128xf32, #tpu.memory_space<vmem>>
      %dma_wait3A_384 = arith.constant 0 : i32
      %dma_wait3A_385 = tpu.memref_slice %arg5[%add3A_380, %dma_wait3A_384] : memref<100x64xi32, #tpu.memory_space<vmem>> -> memref<1x64xi32, #tpu.memory_space<vmem>>
      %dma_wait3A_386 = tpu.memref_squeeze %dma_wait3A_385 : memref<1x64xi32, #tpu.memory_space<vmem>> -> memref<64xi32, #tpu.memory_space<vmem>>
      %dma_wait3A_387 = arith.constant 0 : i32
      %dma_wait3A_388 = arith.constant 0 : i32
      %dma_wait3A_389 = tpu.memref_slice %arg2[%dma_wait3A_387, %dma_wait3A_388] : memref<100000x128xf32, #tpu.memory_space<hbm>> -> memref<100000x128xf32, #tpu.memory_space<hbm>>
      tpu.wait_indirect_dma semaphore(%arg11 : memref<!tpu.dma_semaphore, #tpu.memory_space<semaphore_mem>>) src(%dma_wait3A_389 : memref<100000x128xf32, #tpu.memory_space<hbm>>) dst(%dma_wait3A_383 : memref<64x128xf32, #tpu.memory_space<vmem>>)
      %mul3A_390 = arith.constant 5 : i32
      %mul3A_391 = arith.muli %add3A_322, %mul3A_390 : i32
      %add3A_392 = arith.constant 4 : i32
      %add3A_393 = arith.addi %mul3A_391, %add3A_392 : i32
      %dma_wait3A_394 = arith.constant 256 : i32
      %dma_wait3A_395 = arith.constant 0 : i32
      %dma_wait3A_396 = tpu.memref_slice %arg6[%dma_wait3A_394, %dma_wait3A_395] : memref<320x128xf32, #tpu.memory_space<vmem>> -> memref<64x128xf32, #tpu.memory_space<vmem>>
      %dma_wait3A_397 = arith.constant 0 : i32
      %dma_wait3A_398 = tpu.memref_slice %arg5[%add3A_393, %dma_wait3A_397] : memref<100x64xi32, #tpu.memory_space<vmem>> -> memref<1x64xi32, #tpu.memory_space<vmem>>
      %dma_wait3A_399 = tpu.memref_squeeze %dma_wait3A_398 : memref<1x64xi32, #tpu.memory_space<vmem>> -> memref<64xi32, #tpu.memory_space<vmem>>
      %dma_wait3A_400 = arith.constant 0 : i32
      %dma_wait3A_401 = arith.constant 0 : i32
      %dma_wait3A_402 = tpu.memref_slice %arg2[%dma_wait3A_400, %dma_wait3A_401] : memref<100000x128xf32, #tpu.memory_space<hbm>> -> memref<100000x128xf32, #tpu.memory_space<hbm>>
      tpu.wait_indirect_dma semaphore(%arg12 : memref<!tpu.dma_semaphore, #tpu.memory_space<semaphore_mem>>) src(%dma_wait3A_402 : memref<100000x128xf32, #tpu.memory_space<hbm>>) dst(%dma_wait3A_396 : memref<64x128xf32, #tpu.memory_space<vmem>>)
      %mul3A_403 = arith.constant 320 : i32
      %mul3A_404 = arith.muli %add3A_322, %mul3A_403 : i32
      %add3A_405 = arith.addi %mul3A_2, %mul3A_404 : i32
      %add3A_406 = arith.constant 128 : i32
      %add3A_407 = arith.addi %add3A_405, %add3A_406 : i32
      %dma_start3A_408 = arith.constant 128 : i32
      %dma_start3A_409 = arith.constant 0 : i32
      %dma_start3A_410 = tpu.memref_slice %arg6[%dma_start3A_408, %dma_start3A_409] : memref<320x128xf32, #tpu.memory_space<vmem>> -> memref<192x128xf32, #tpu.memory_space<vmem>>
      %dma_start3A_411 = arith.constant 0 : i32
      %dma_start3A_412 = tpu.memref_slice %arg4[%add3A_407, %dma_start3A_411] : memref<204800x128xf32, #tpu.memory_space<hbm>> -> memref<192x128xf32, #tpu.memory_space<hbm>>
      %dma_start3A_413 = arith.constant 0 : i32
      %dma_start3A_414 = tpu.memref_slice %arg4[%add3A_407, %dma_start3A_413] : memref<204800x128xf32, #tpu.memory_space<hbm>> -> memref<192x128xf32, #tpu.memory_space<hbm>>
      %dma_start3A_415 = arith.constant 128 : i32
      %dma_start3A_416 = arith.constant 0 : i32
      %dma_start3A_417 = tpu.memref_slice %arg6[%dma_start3A_415, %dma_start3A_416] : memref<320x128xf32, #tpu.memory_space<vmem>> -> memref<192x128xf32, #tpu.memory_space<vmem>>
      tpu.enqueue_dma source(%dma_start3A_417 : memref<192x128xf32, #tpu.memory_space<vmem>>) target(%dma_start3A_414 : memref<192x128xf32, #tpu.memory_space<hbm>>) target_semaphore(%arg19 : memref<!tpu.dma_semaphore, #tpu.memory_space<semaphore_mem>>)
      %add3A_418 = arith.constant 1 : i32
      %add3A_419 = arith.addi %mul3A_320, %add3A_418 : i32
      %mul3A_420 = arith.constant 5 : i32
      %mul3A_421 = arith.muli %add3A_419, %mul3A_420 : i32
      %add3A_422 = arith.constant 0 : i32
      %add3A_423 = arith.addi %mul3A_421, %add3A_422 : i32
      %dma_wait3A_424 = arith.constant 0 : i32
      %dma_wait3A_425 = arith.constant 0 : i32
      %dma_wait3A_426 = tpu.memref_slice %arg7[%dma_wait3A_424, %dma_wait3A_425] : memref<320x128xf32, #tpu.memory_space<vmem>> -> memref<64x128xf32, #tpu.memory_space<vmem>>
      %dma_wait3A_427 = arith.constant 0 : i32
      %dma_wait3A_428 = tpu.memref_slice %arg5[%add3A_423, %dma_wait3A_427] : memref<100x64xi32, #tpu.memory_space<vmem>> -> memref<1x64xi32, #tpu.memory_space<vmem>>
      %dma_wait3A_429 = tpu.memref_squeeze %dma_wait3A_428 : memref<1x64xi32, #tpu.memory_space<vmem>> -> memref<64xi32, #tpu.memory_space<vmem>>
      %dma_wait3A_430 = arith.constant 0 : i32
      %dma_wait3A_431 = arith.constant 0 : i32
      %dma_wait3A_432 = tpu.memref_slice %arg2[%dma_wait3A_430, %dma_wait3A_431] : memref<100000x128xf32, #tpu.memory_space<hbm>> -> memref<100000x128xf32, #tpu.memory_space<hbm>>
      tpu.wait_indirect_dma semaphore(%arg13 : memref<!tpu.dma_semaphore, #tpu.memory_space<semaphore_mem>>) src(%dma_wait3A_432 : memref<100000x128xf32, #tpu.memory_space<hbm>>) dst(%dma_wait3A_426 : memref<64x128xf32, #tpu.memory_space<vmem>>)
      %mul3A_433 = arith.constant 5 : i32
      %mul3A_434 = arith.muli %add3A_419, %mul3A_433 : i32
      %add3A_435 = arith.constant 1 : i32
      %add3A_436 = arith.addi %mul3A_434, %add3A_435 : i32
      %dma_wait3A_437 = arith.constant 64 : i32
      %dma_wait3A_438 = arith.constant 0 : i32
      %dma_wait3A_439 = tpu.memref_slice %arg7[%dma_wait3A_437, %dma_wait3A_438] : memref<320x128xf32, #tpu.memory_space<vmem>> -> memref<64x128xf32, #tpu.memory_space<vmem>>
      %dma_wait3A_440 = arith.constant 0 : i32
      %dma_wait3A_441 = tpu.memref_slice %arg5[%add3A_436, %dma_wait3A_440] : memref<100x64xi32, #tpu.memory_space<vmem>> -> memref<1x64xi32, #tpu.memory_space<vmem>>
      %dma_wait3A_442 = tpu.memref_squeeze %dma_wait3A_441 : memref<1x64xi32, #tpu.memory_space<vmem>> -> memref<64xi32, #tpu.memory_space<vmem>>
      %dma_wait3A_443 = arith.constant 0 : i32
      %dma_wait3A_444 = arith.constant 0 : i32
      %dma_wait3A_445 = tpu.memref_slice %arg2[%dma_wait3A_443, %dma_wait3A_444] : memref<100000x128xf32, #tpu.memory_space<hbm>> -> memref<100000x128xf32, #tpu.memory_space<hbm>>
      tpu.wait_indirect_dma semaphore(%arg14 : memref<!tpu.dma_semaphore, #tpu.memory_space<semaphore_mem>>) src(%dma_wait3A_445 : memref<100000x128xf32, #tpu.memory_space<hbm>>) dst(%dma_wait3A_439 : memref<64x128xf32, #tpu.memory_space<vmem>>)
      %mul3A_446 = arith.constant 320 : i32
      %mul3A_447 = arith.muli %add3A_419, %mul3A_446 : i32
      %add3A_448 = arith.addi %mul3A_2, %mul3A_447 : i32
      %add3A_449 = arith.constant 0 : i32
      %add3A_450 = arith.addi %add3A_448, %add3A_449 : i32
      %dma_start3A_451 = arith.constant 0 : i32
      %dma_start3A_452 = arith.constant 0 : i32
      %dma_start3A_453 = tpu.memref_slice %arg7[%dma_start3A_451, %dma_start3A_452] : memref<320x128xf32, #tpu.memory_space<vmem>> -> memref<128x128xf32, #tpu.memory_space<vmem>>
      %dma_start3A_454 = arith.constant 0 : i32
      %dma_start3A_455 = tpu.memref_slice %arg4[%add3A_450, %dma_start3A_454] : memref<204800x128xf32, #tpu.memory_space<hbm>> -> memref<128x128xf32, #tpu.memory_space<hbm>>
      %dma_start3A_456 = arith.constant 0 : i32
      %dma_start3A_457 = tpu.memref_slice %arg4[%add3A_450, %dma_start3A_456] : memref<204800x128xf32, #tpu.memory_space<hbm>> -> memref<128x128xf32, #tpu.memory_space<hbm>>
      %dma_start3A_458 = arith.constant 0 : i32
      %dma_start3A_459 = arith.constant 0 : i32
      %dma_start3A_460 = tpu.memref_slice %arg7[%dma_start3A_458, %dma_start3A_459] : memref<320x128xf32, #tpu.memory_space<vmem>> -> memref<128x128xf32, #tpu.memory_space<vmem>>
      tpu.enqueue_dma source(%dma_start3A_460 : memref<128x128xf32, #tpu.memory_space<vmem>>) target(%dma_start3A_457 : memref<128x128xf32, #tpu.memory_space<hbm>>) target_semaphore(%arg20 : memref<!tpu.dma_semaphore, #tpu.memory_space<semaphore_mem>>)
      %mul3A_461 = arith.constant 5 : i32
      %mul3A_462 = arith.muli %add3A_419, %mul3A_461 : i32
      %add3A_463 = arith.constant 2 : i32
      %add3A_464 = arith.addi %mul3A_462, %add3A_463 : i32
      %dma_wait3A_465 = arith.constant 128 : i32
      %dma_wait3A_466 = arith.constant 0 : i32
      %dma_wait3A_467 = tpu.memref_slice %arg7[%dma_wait3A_465, %dma_wait3A_466] : memref<320x128xf32, #tpu.memory_space<vmem>> -> memref<64x128xf32, #tpu.memory_space<vmem>>
      %dma_wait3A_468 = arith.constant 0 : i32
      %dma_wait3A_469 = tpu.memref_slice %arg5[%add3A_464, %dma_wait3A_468] : memref<100x64xi32, #tpu.memory_space<vmem>> -> memref<1x64xi32, #tpu.memory_space<vmem>>
      %dma_wait3A_470 = tpu.memref_squeeze %dma_wait3A_469 : memref<1x64xi32, #tpu.memory_space<vmem>> -> memref<64xi32, #tpu.memory_space<vmem>>
      %dma_wait3A_471 = arith.constant 0 : i32
      %dma_wait3A_472 = arith.constant 0 : i32
      %dma_wait3A_473 = tpu.memref_slice %arg2[%dma_wait3A_471, %dma_wait3A_472] : memref<100000x128xf32, #tpu.memory_space<hbm>> -> memref<100000x128xf32, #tpu.memory_space<hbm>>
      tpu.wait_indirect_dma semaphore(%arg15 : memref<!tpu.dma_semaphore, #tpu.memory_space<semaphore_mem>>) src(%dma_wait3A_473 : memref<100000x128xf32, #tpu.memory_space<hbm>>) dst(%dma_wait3A_467 : memref<64x128xf32, #tpu.memory_space<vmem>>)
      %mul3A_474 = arith.constant 5 : i32
      %mul3A_475 = arith.muli %add3A_419, %mul3A_474 : i32
      %add3A_476 = arith.constant 3 : i32
      %add3A_477 = arith.addi %mul3A_475, %add3A_476 : i32
      %dma_wait3A_478 = arith.constant 192 : i32
      %dma_wait3A_479 = arith.constant 0 : i32
      %dma_wait3A_480 = tpu.memref_slice %arg7[%dma_wait3A_478, %dma_wait3A_479] : memref<320x128xf32, #tpu.memory_space<vmem>> -> memref<64x128xf32, #tpu.memory_space<vmem>>
      %dma_wait3A_481 = arith.constant 0 : i32
      %dma_wait3A_482 = tpu.memref_slice %arg5[%add3A_477, %dma_wait3A_481] : memref<100x64xi32, #tpu.memory_space<vmem>> -> memref<1x64xi32, #tpu.memory_space<vmem>>
      %dma_wait3A_483 = tpu.memref_squeeze %dma_wait3A_482 : memref<1x64xi32, #tpu.memory_space<vmem>> -> memref<64xi32, #tpu.memory_space<vmem>>
      %dma_wait3A_484 = arith.constant 0 : i32
      %dma_wait3A_485 = arith.constant 0 : i32
      %dma_wait3A_486 = tpu.memref_slice %arg2[%dma_wait3A_484, %dma_wait3A_485] : memref<100000x128xf32, #tpu.memory_space<hbm>> -> memref<100000x128xf32, #tpu.memory_space<hbm>>
      tpu.wait_indirect_dma semaphore(%arg16 : memref<!tpu.dma_semaphore, #tpu.memory_space<semaphore_mem>>) src(%dma_wait3A_486 : memref<100000x128xf32, #tpu.memory_space<hbm>>) dst(%dma_wait3A_480 : memref<64x128xf32, #tpu.memory_space<vmem>>)
      %mul3A_487 = arith.constant 5 : i32
      %mul3A_488 = arith.muli %add3A_419, %mul3A_487 : i32
      %add3A_489 = arith.constant 4 : i32
      %add3A_490 = arith.addi %mul3A_488, %add3A_489 : i32
      %dma_wait3A_491 = arith.constant 256 : i32
      %dma_wait3A_492 = arith.constant 0 : i32
      %dma_wait3A_493 = tpu.memref_slice %arg7[%dma_wait3A_491, %dma_wait3A_492] : memref<320x128xf32, #tpu.memory_space<vmem>> -> memref<64x128xf32, #tpu.memory_space<vmem>>
      %dma_wait3A_494 = arith.constant 0 : i32
      %dma_wait3A_495 = tpu.memref_slice %arg5[%add3A_490, %dma_wait3A_494] : memref<100x64xi32, #tpu.memory_space<vmem>> -> memref<1x64xi32, #tpu.memory_space<vmem>>
      %dma_wait3A_496 = tpu.memref_squeeze %dma_wait3A_495 : memref<1x64xi32, #tpu.memory_space<vmem>> -> memref<64xi32, #tpu.memory_space<vmem>>
      %dma_wait3A_497 = arith.constant 0 : i32
      %dma_wait3A_498 = arith.constant 0 : i32
      %dma_wait3A_499 = tpu.memref_slice %arg2[%dma_wait3A_497, %dma_wait3A_498] : memref<100000x128xf32, #tpu.memory_space<hbm>> -> memref<100000x128xf32, #tpu.memory_space<hbm>>
      tpu.wait_indirect_dma semaphore(%arg17 : memref<!tpu.dma_semaphore, #tpu.memory_space<semaphore_mem>>) src(%dma_wait3A_499 : memref<100000x128xf32, #tpu.memory_space<hbm>>) dst(%dma_wait3A_493 : memref<64x128xf32, #tpu.memory_space<vmem>>)
      %mul3A_500 = arith.constant 320 : i32
      %mul3A_501 = arith.muli %add3A_419, %mul3A_500 : i32
      %add3A_502 = arith.addi %mul3A_2, %mul3A_501 : i32
      %add3A_503 = arith.constant 128 : i32
      %add3A_504 = arith.addi %add3A_502, %add3A_503 : i32
      %dma_start3A_505 = arith.constant 128 : i32
      %dma_start3A_506 = arith.constant 0 : i32
      %dma_start3A_507 = tpu.memref_slice %arg7[%dma_start3A_505, %dma_start3A_506] : memref<320x128xf32, #tpu.memory_space<vmem>> -> memref<192x128xf32, #tpu.memory_space<vmem>>
      %dma_start3A_508 = arith.constant 0 : i32
      %dma_start3A_509 = tpu.memref_slice %arg4[%add3A_504, %dma_start3A_508] : memref<204800x128xf32, #tpu.memory_space<hbm>> -> memref<192x128xf32, #tpu.memory_space<hbm>>
      %dma_start3A_510 = arith.constant 0 : i32
      %dma_start3A_511 = tpu.memref_slice %arg4[%add3A_504, %dma_start3A_510] : memref<204800x128xf32, #tpu.memory_space<hbm>> -> memref<192x128xf32, #tpu.memory_space<hbm>>
      %dma_start3A_512 = arith.constant 128 : i32
      %dma_start3A_513 = arith.constant 0 : i32
      %dma_start3A_514 = tpu.memref_slice %arg7[%dma_start3A_512, %dma_start3A_513] : memref<320x128xf32, #tpu.memory_space<vmem>> -> memref<192x128xf32, #tpu.memory_space<vmem>>
      tpu.enqueue_dma source(%dma_start3A_514 : memref<192x128xf32, #tpu.memory_space<vmem>>) target(%dma_start3A_511 : memref<192x128xf32, #tpu.memory_space<hbm>>) target_semaphore(%arg21 : memref<!tpu.dma_semaphore, #tpu.memory_space<semaphore_mem>>)
      %add3A_515 = arith.constant 0 : i32
      %add3A_516 = arith.addi %mul3A_320, %add3A_515 : i32
      %mul3A_517 = arith.constant 320 : i32
      %mul3A_518 = arith.muli %add3A_516, %mul3A_517 : i32
      %add3A_519 = arith.addi %mul3A_2, %mul3A_518 : i32
      %add3A_520 = arith.constant 0 : i32
      %add3A_521 = arith.addi %add3A_519, %add3A_520 : i32
      %dma_wait3A_522 = arith.constant 0 : i32
      %dma_wait3A_523 = arith.constant 0 : i32
      %dma_wait3A_524 = tpu.memref_slice %arg6[%dma_wait3A_522, %dma_wait3A_523] : memref<320x128xf32, #tpu.memory_space<vmem>> -> memref<128x128xf32, #tpu.memory_space<vmem>>
      %dma_wait3A_525 = arith.constant 0 : i32
      %dma_wait3A_526 = tpu.memref_slice %arg4[%add3A_521, %dma_wait3A_525] : memref<204800x128xf32, #tpu.memory_space<hbm>> -> memref<128x128xf32, #tpu.memory_space<hbm>>
      %dma_wait3A_527 = arith.constant 0 : i32
      %dma_wait3A_528 = tpu.memref_slice %arg4[%add3A_521, %dma_wait3A_527] : memref<204800x128xf32, #tpu.memory_space<hbm>> -> memref<128x128xf32, #tpu.memory_space<hbm>>
      %dma_wait3A_529 = arith.constant 0 : i32
      %dma_wait3A_530 = arith.constant 0 : i32
      %dma_wait3A_531 = tpu.memref_slice %arg6[%dma_wait3A_529, %dma_wait3A_530] : memref<320x128xf32, #tpu.memory_space<vmem>> -> memref<128x128xf32, #tpu.memory_space<vmem>>
      tpu.wait_dma2 semaphore(%arg18 : memref<!tpu.dma_semaphore, #tpu.memory_space<semaphore_mem>>) src(%dma_wait3A_531 : memref<128x128xf32, #tpu.memory_space<vmem>>) dst(%dma_wait3A_528 : memref<128x128xf32, #tpu.memory_space<hbm>>)
      %add3A_532 = arith.constant 0 : i32
      %add3A_533 = arith.addi %mul3A_320, %add3A_532 : i32
      %mul3A_534 = arith.constant 320 : i32
      %mul3A_535 = arith.muli %add3A_533, %mul3A_534 : i32
      %add3A_536 = arith.addi %mul3A_2, %mul3A_535 : i32
      %add3A_537 = arith.constant 128 : i32
      %add3A_538 = arith.addi %add3A_536, %add3A_537 : i32
      %dma_wait3A_539 = arith.constant 128 : i32
      %dma_wait3A_540 = arith.constant 0 : i32
      %dma_wait3A_541 = tpu.memref_slice %arg6[%dma_wait3A_539, %dma_wait3A_540] : memref<320x128xf32, #tpu.memory_space<vmem>> -> memref<192x128xf32, #tpu.memory_space<vmem>>
      %dma_wait3A_542 = arith.constant 0 : i32
      %dma_wait3A_543 = tpu.memref_slice %arg4[%add3A_538, %dma_wait3A_542] : memref<204800x128xf32, #tpu.memory_space<hbm>> -> memref<192x128xf32, #tpu.memory_space<hbm>>
      %dma_wait3A_544 = arith.constant 0 : i32
      %dma_wait3A_545 = tpu.memref_slice %arg4[%add3A_538, %dma_wait3A_544] : memref<204800x128xf32, #tpu.memory_space<hbm>> -> memref<192x128xf32, #tpu.memory_space<hbm>>
      %dma_wait3A_546 = arith.constant 128 : i32
      %dma_wait3A_547 = arith.constant 0 : i32
      %dma_wait3A_548 = tpu.memref_slice %arg6[%dma_wait3A_546, %dma_wait3A_547] : memref<320x128xf32, #tpu.memory_space<vmem>> -> memref<192x128xf32, #tpu.memory_space<vmem>>
      tpu.wait_dma2 semaphore(%arg19 : memref<!tpu.dma_semaphore, #tpu.memory_space<semaphore_mem>>) src(%dma_wait3A_548 : memref<192x128xf32, #tpu.memory_space<vmem>>) dst(%dma_wait3A_545 : memref<192x128xf32, #tpu.memory_space<hbm>>)
      %add3A_549 = arith.constant 2 : i32
      %add3A_550 = arith.addi %mul3A_320, %add3A_549 : i32
      %add3A_551 = arith.constant 0 : i32
      %add3A_552 = arith.addi %add3A_550, %add3A_551 : i32
      %mul3A_553 = arith.constant 5 : i32
      %mul3A_554 = arith.muli %add3A_552, %mul3A_553 : i32
      %add3A_555 = arith.constant 0 : i32
      %add3A_556 = arith.addi %mul3A_554, %add3A_555 : i32
      %dma_start3A_557 = arith.constant 0 : i32
      %dma_start3A_558 = arith.constant 0 : i32
      %dma_start3A_559 = tpu.memref_slice %arg6[%dma_start3A_557, %dma_start3A_558] : memref<320x128xf32, #tpu.memory_space<vmem>> -> memref<64x128xf32, #tpu.memory_space<vmem>>
      %dma_start3A_560 = arith.constant 0 : i32
      %dma_start3A_561 = tpu.memref_slice %arg5[%add3A_556, %dma_start3A_560] : memref<100x64xi32, #tpu.memory_space<vmem>> -> memref<1x64xi32, #tpu.memory_space<vmem>>
      %dma_start3A_562 = tpu.memref_squeeze %dma_start3A_561 : memref<1x64xi32, #tpu.memory_space<vmem>> -> memref<64xi32, #tpu.memory_space<vmem>>
      %dma_start3A_563 = arith.constant 0 : i32
      %dma_start3A_564 = arith.constant 0 : i32
      %dma_start3A_565 = tpu.memref_slice %arg2[%dma_start3A_563, %dma_start3A_564] : memref<100000x128xf32, #tpu.memory_space<hbm>> -> memref<100000x128xf32, #tpu.memory_space<hbm>>
      tpu.enqueue_indirect_dma source(%dma_start3A_565 : memref<100000x128xf32, #tpu.memory_space<hbm>>) target(%dma_start3A_559 : memref<64x128xf32, #tpu.memory_space<vmem>>) offsets(%dma_start3A_562 : memref<64xi32, #tpu.memory_space<vmem>>) semaphore(%arg8 : memref<!tpu.dma_semaphore, #tpu.memory_space<semaphore_mem>>)
      %mul3A_566 = arith.constant 5 : i32
      %mul3A_567 = arith.muli %add3A_552, %mul3A_566 : i32
      %add3A_568 = arith.constant 1 : i32
      %add3A_569 = arith.addi %mul3A_567, %add3A_568 : i32
      %dma_start3A_570 = arith.constant 64 : i32
      %dma_start3A_571 = arith.constant 0 : i32
      %dma_start3A_572 = tpu.memref_slice %arg6[%dma_start3A_570, %dma_start3A_571] : memref<320x128xf32, #tpu.memory_space<vmem>> -> memref<64x128xf32, #tpu.memory_space<vmem>>
      %dma_start3A_573 = arith.constant 0 : i32
      %dma_start3A_574 = tpu.memref_slice %arg5[%add3A_569, %dma_start3A_573] : memref<100x64xi32, #tpu.memory_space<vmem>> -> memref<1x64xi32, #tpu.memory_space<vmem>>
      %dma_start3A_575 = tpu.memref_squeeze %dma_start3A_574 : memref<1x64xi32, #tpu.memory_space<vmem>> -> memref<64xi32, #tpu.memory_space<vmem>>
      %dma_start3A_576 = arith.constant 0 : i32
      %dma_start3A_577 = arith.constant 0 : i32
      %dma_start3A_578 = tpu.memref_slice %arg2[%dma_start3A_576, %dma_start3A_577] : memref<100000x128xf32, #tpu.memory_space<hbm>> -> memref<100000x128xf32, #tpu.memory_space<hbm>>
      tpu.enqueue_indirect_dma source(%dma_start3A_578 : memref<100000x128xf32, #tpu.memory_space<hbm>>) target(%dma_start3A_572 : memref<64x128xf32, #tpu.memory_space<vmem>>) offsets(%dma_start3A_575 : memref<64xi32, #tpu.memory_space<vmem>>) semaphore(%arg9 : memref<!tpu.dma_semaphore, #tpu.memory_space<semaphore_mem>>)
      %mul3A_579 = arith.constant 5 : i32
      %mul3A_580 = arith.muli %add3A_552, %mul3A_579 : i32
      %add3A_581 = arith.constant 2 : i32
      %add3A_582 = arith.addi %mul3A_580, %add3A_581 : i32
      %dma_start3A_583 = arith.constant 128 : i32
      %dma_start3A_584 = arith.constant 0 : i32
      %dma_start3A_585 = tpu.memref_slice %arg6[%dma_start3A_583, %dma_start3A_584] : memref<320x128xf32, #tpu.memory_space<vmem>> -> memref<64x128xf32, #tpu.memory_space<vmem>>
      %dma_start3A_586 = arith.constant 0 : i32
      %dma_start3A_587 = tpu.memref_slice %arg5[%add3A_582, %dma_start3A_586] : memref<100x64xi32, #tpu.memory_space<vmem>> -> memref<1x64xi32, #tpu.memory_space<vmem>>
      %dma_start3A_588 = tpu.memref_squeeze %dma_start3A_587 : memref<1x64xi32, #tpu.memory_space<vmem>> -> memref<64xi32, #tpu.memory_space<vmem>>
      %dma_start3A_589 = arith.constant 0 : i32
      %dma_start3A_590 = arith.constant 0 : i32
      %dma_start3A_591 = tpu.memref_slice %arg2[%dma_start3A_589, %dma_start3A_590] : memref<100000x128xf32, #tpu.memory_space<hbm>> -> memref<100000x128xf32, #tpu.memory_space<hbm>>
      tpu.enqueue_indirect_dma source(%dma_start3A_591 : memref<100000x128xf32, #tpu.memory_space<hbm>>) target(%dma_start3A_585 : memref<64x128xf32, #tpu.memory_space<vmem>>) offsets(%dma_start3A_588 : memref<64xi32, #tpu.memory_space<vmem>>) semaphore(%arg10 : memref<!tpu.dma_semaphore, #tpu.memory_space<semaphore_mem>>)
      %mul3A_592 = arith.constant 5 : i32
      %mul3A_593 = arith.muli %add3A_552, %mul3A_592 : i32
      %add3A_594 = arith.constant 3 : i32
      %add3A_595 = arith.addi %mul3A_593, %add3A_594 : i32
      %dma_start3A_596 = arith.constant 192 : i32
      %dma_start3A_597 = arith.constant 0 : i32
      %dma_start3A_598 = tpu.memref_slice %arg6[%dma_start3A_596, %dma_start3A_597] : memref<320x128xf32, #tpu.memory_space<vmem>> -> memref<64x128xf32, #tpu.memory_space<vmem>>
      %dma_start3A_599 = arith.constant 0 : i32
      %dma_start3A_600 = tpu.memref_slice %arg5[%add3A_595, %dma_start3A_599] : memref<100x64xi32, #tpu.memory_space<vmem>> -> memref<1x64xi32, #tpu.memory_space<vmem>>
      %dma_start3A_601 = tpu.memref_squeeze %dma_start3A_600 : memref<1x64xi32, #tpu.memory_space<vmem>> -> memref<64xi32, #tpu.memory_space<vmem>>
      %dma_start3A_602 = arith.constant 0 : i32
      %dma_start3A_603 = arith.constant 0 : i32
      %dma_start3A_604 = tpu.memref_slice %arg2[%dma_start3A_602, %dma_start3A_603] : memref<100000x128xf32, #tpu.memory_space<hbm>> -> memref<100000x128xf32, #tpu.memory_space<hbm>>
      tpu.enqueue_indirect_dma source(%dma_start3A_604 : memref<100000x128xf32, #tpu.memory_space<hbm>>) target(%dma_start3A_598 : memref<64x128xf32, #tpu.memory_space<vmem>>) offsets(%dma_start3A_601 : memref<64xi32, #tpu.memory_space<vmem>>) semaphore(%arg11 : memref<!tpu.dma_semaphore, #tpu.memory_space<semaphore_mem>>)
      %mul3A_605 = arith.constant 5 : i32
      %mul3A_606 = arith.muli %add3A_552, %mul3A_605 : i32
      %add3A_607 = arith.constant 4 : i32
      %add3A_608 = arith.addi %mul3A_606, %add3A_607 : i32
      %dma_start3A_609 = arith.constant 256 : i32
      %dma_start3A_610 = arith.constant 0 : i32
      %dma_start3A_611 = tpu.memref_slice %arg6[%dma_start3A_609, %dma_start3A_610] : memref<320x128xf32, #tpu.memory_space<vmem>> -> memref<64x128xf32, #tpu.memory_space<vmem>>
      %dma_start3A_612 = arith.constant 0 : i32
      %dma_start3A_613 = tpu.memref_slice %arg5[%add3A_608, %dma_start3A_612] : memref<100x64xi32, #tpu.memory_space<vmem>> -> memref<1x64xi32, #tpu.memory_space<vmem>>
      %dma_start3A_614 = tpu.memref_squeeze %dma_start3A_613 : memref<1x64xi32, #tpu.memory_space<vmem>> -> memref<64xi32, #tpu.memory_space<vmem>>
      %dma_start3A_615 = arith.constant 0 : i32
      %dma_start3A_616 = arith.constant 0 : i32
      %dma_start3A_617 = tpu.memref_slice %arg2[%dma_start3A_615, %dma_start3A_616] : memref<100000x128xf32, #tpu.memory_space<hbm>> -> memref<100000x128xf32, #tpu.memory_space<hbm>>
      tpu.enqueue_indirect_dma source(%dma_start3A_617 : memref<100000x128xf32, #tpu.memory_space<hbm>>) target(%dma_start3A_611 : memref<64x128xf32, #tpu.memory_space<vmem>>) offsets(%dma_start3A_614 : memref<64xi32, #tpu.memory_space<vmem>>) semaphore(%arg12 : memref<!tpu.dma_semaphore, #tpu.memory_space<semaphore_mem>>)
      %add3A_618 = arith.constant 1 : i32
      %add3A_619 = arith.addi %mul3A_320, %add3A_618 : i32
      %mul3A_620 = arith.constant 320 : i32
      %mul3A_621 = arith.muli %add3A_619, %mul3A_620 : i32
      %add3A_622 = arith.addi %mul3A_2, %mul3A_621 : i32
      %add3A_623 = arith.constant 0 : i32
      %add3A_624 = arith.addi %add3A_622, %add3A_623 : i32
      %dma_wait3A_625 = arith.constant 0 : i32
      %dma_wait3A_626 = arith.constant 0 : i32
      %dma_wait3A_627 = tpu.memref_slice %arg7[%dma_wait3A_625, %dma_wait3A_626] : memref<320x128xf32, #tpu.memory_space<vmem>> -> memref<128x128xf32, #tpu.memory_space<vmem>>
      %dma_wait3A_628 = arith.constant 0 : i32
      %dma_wait3A_629 = tpu.memref_slice %arg4[%add3A_624, %dma_wait3A_628] : memref<204800x128xf32, #tpu.memory_space<hbm>> -> memref<128x128xf32, #tpu.memory_space<hbm>>
      %dma_wait3A_630 = arith.constant 0 : i32
      %dma_wait3A_631 = tpu.memref_slice %arg4[%add3A_624, %dma_wait3A_630] : memref<204800x128xf32, #tpu.memory_space<hbm>> -> memref<128x128xf32, #tpu.memory_space<hbm>>
      %dma_wait3A_632 = arith.constant 0 : i32
      %dma_wait3A_633 = arith.constant 0 : i32
      %dma_wait3A_634 = tpu.memref_slice %arg7[%dma_wait3A_632, %dma_wait3A_633] : memref<320x128xf32, #tpu.memory_space<vmem>> -> memref<128x128xf32, #tpu.memory_space<vmem>>
      tpu.wait_dma2 semaphore(%arg20 : memref<!tpu.dma_semaphore, #tpu.memory_space<semaphore_mem>>) src(%dma_wait3A_634 : memref<128x128xf32, #tpu.memory_space<vmem>>) dst(%dma_wait3A_631 : memref<128x128xf32, #tpu.memory_space<hbm>>)
      %add3A_635 = arith.constant 1 : i32
      %add3A_636 = arith.addi %mul3A_320, %add3A_635 : i32
      %mul3A_637 = arith.constant 320 : i32
      %mul3A_638 = arith.muli %add3A_636, %mul3A_637 : i32
      %add3A_639 = arith.addi %mul3A_2, %mul3A_638 : i32
      %add3A_640 = arith.constant 128 : i32
      %add3A_641 = arith.addi %add3A_639, %add3A_640 : i32
      %dma_wait3A_642 = arith.constant 128 : i32
      %dma_wait3A_643 = arith.constant 0 : i32
      %dma_wait3A_644 = tpu.memref_slice %arg7[%dma_wait3A_642, %dma_wait3A_643] : memref<320x128xf32, #tpu.memory_space<vmem>> -> memref<192x128xf32, #tpu.memory_space<vmem>>
      %dma_wait3A_645 = arith.constant 0 : i32
      %dma_wait3A_646 = tpu.memref_slice %arg4[%add3A_641, %dma_wait3A_645] : memref<204800x128xf32, #tpu.memory_space<hbm>> -> memref<192x128xf32, #tpu.memory_space<hbm>>
      %dma_wait3A_647 = arith.constant 0 : i32
      %dma_wait3A_648 = tpu.memref_slice %arg4[%add3A_641, %dma_wait3A_647] : memref<204800x128xf32, #tpu.memory_space<hbm>> -> memref<192x128xf32, #tpu.memory_space<hbm>>
      %dma_wait3A_649 = arith.constant 128 : i32
      %dma_wait3A_650 = arith.constant 0 : i32
      %dma_wait3A_651 = tpu.memref_slice %arg7[%dma_wait3A_649, %dma_wait3A_650] : memref<320x128xf32, #tpu.memory_space<vmem>> -> memref<192x128xf32, #tpu.memory_space<vmem>>
      tpu.wait_dma2 semaphore(%arg21 : memref<!tpu.dma_semaphore, #tpu.memory_space<semaphore_mem>>) src(%dma_wait3A_651 : memref<192x128xf32, #tpu.memory_space<vmem>>) dst(%dma_wait3A_648 : memref<192x128xf32, #tpu.memory_space<hbm>>)
      %add3A_652 = arith.constant 2 : i32
      %add3A_653 = arith.addi %mul3A_320, %add3A_652 : i32
      %add3A_654 = arith.constant 1 : i32
      %add3A_655 = arith.addi %add3A_653, %add3A_654 : i32
      %mul3A_656 = arith.constant 5 : i32
      %mul3A_657 = arith.muli %add3A_655, %mul3A_656 : i32
      %add3A_658 = arith.constant 0 : i32
      %add3A_659 = arith.addi %mul3A_657, %add3A_658 : i32
      %dma_start3A_660 = arith.constant 0 : i32
      %dma_start3A_661 = arith.constant 0 : i32
      %dma_start3A_662 = tpu.memref_slice %arg7[%dma_start3A_660, %dma_start3A_661] : memref<320x128xf32, #tpu.memory_space<vmem>> -> memref<64x128xf32, #tpu.memory_space<vmem>>
      %dma_start3A_663 = arith.constant 0 : i32
      %dma_start3A_664 = tpu.memref_slice %arg5[%add3A_659, %dma_start3A_663] : memref<100x64xi32, #tpu.memory_space<vmem>> -> memref<1x64xi32, #tpu.memory_space<vmem>>
      %dma_start3A_665 = tpu.memref_squeeze %dma_start3A_664 : memref<1x64xi32, #tpu.memory_space<vmem>> -> memref<64xi32, #tpu.memory_space<vmem>>
      %dma_start3A_666 = arith.constant 0 : i32
      %dma_start3A_667 = arith.constant 0 : i32
      %dma_start3A_668 = tpu.memref_slice %arg2[%dma_start3A_666, %dma_start3A_667] : memref<100000x128xf32, #tpu.memory_space<hbm>> -> memref<100000x128xf32, #tpu.memory_space<hbm>>
      tpu.enqueue_indirect_dma source(%dma_start3A_668 : memref<100000x128xf32, #tpu.memory_space<hbm>>) target(%dma_start3A_662 : memref<64x128xf32, #tpu.memory_space<vmem>>) offsets(%dma_start3A_665 : memref<64xi32, #tpu.memory_space<vmem>>) semaphore(%arg13 : memref<!tpu.dma_semaphore, #tpu.memory_space<semaphore_mem>>)
      %mul3A_669 = arith.constant 5 : i32
      %mul3A_670 = arith.muli %add3A_655, %mul3A_669 : i32
      %add3A_671 = arith.constant 1 : i32
      %add3A_672 = arith.addi %mul3A_670, %add3A_671 : i32
      %dma_start3A_673 = arith.constant 64 : i32
      %dma_start3A_674 = arith.constant 0 : i32
      %dma_start3A_675 = tpu.memref_slice %arg7[%dma_start3A_673, %dma_start3A_674] : memref<320x128xf32, #tpu.memory_space<vmem>> -> memref<64x128xf32, #tpu.memory_space<vmem>>
      %dma_start3A_676 = arith.constant 0 : i32
      %dma_start3A_677 = tpu.memref_slice %arg5[%add3A_672, %dma_start3A_676] : memref<100x64xi32, #tpu.memory_space<vmem>> -> memref<1x64xi32, #tpu.memory_space<vmem>>
      %dma_start3A_678 = tpu.memref_squeeze %dma_start3A_677 : memref<1x64xi32, #tpu.memory_space<vmem>> -> memref<64xi32, #tpu.memory_space<vmem>>
      %dma_start3A_679 = arith.constant 0 : i32
      %dma_start3A_680 = arith.constant 0 : i32
      %dma_start3A_681 = tpu.memref_slice %arg2[%dma_start3A_679, %dma_start3A_680] : memref<100000x128xf32, #tpu.memory_space<hbm>> -> memref<100000x128xf32, #tpu.memory_space<hbm>>
      tpu.enqueue_indirect_dma source(%dma_start3A_681 : memref<100000x128xf32, #tpu.memory_space<hbm>>) target(%dma_start3A_675 : memref<64x128xf32, #tpu.memory_space<vmem>>) offsets(%dma_start3A_678 : memref<64xi32, #tpu.memory_space<vmem>>) semaphore(%arg14 : memref<!tpu.dma_semaphore, #tpu.memory_space<semaphore_mem>>)
      %mul3A_682 = arith.constant 5 : i32
      %mul3A_683 = arith.muli %add3A_655, %mul3A_682 : i32
      %add3A_684 = arith.constant 2 : i32
      %add3A_685 = arith.addi %mul3A_683, %add3A_684 : i32
      %dma_start3A_686 = arith.constant 128 : i32
      %dma_start3A_687 = arith.constant 0 : i32
      %dma_start3A_688 = tpu.memref_slice %arg7[%dma_start3A_686, %dma_start3A_687] : memref<320x128xf32, #tpu.memory_space<vmem>> -> memref<64x128xf32, #tpu.memory_space<vmem>>
      %dma_start3A_689 = arith.constant 0 : i32
      %dma_start3A_690 = tpu.memref_slice %arg5[%add3A_685, %dma_start3A_689] : memref<100x64xi32, #tpu.memory_space<vmem>> -> memref<1x64xi32, #tpu.memory_space<vmem>>
      %dma_start3A_691 = tpu.memref_squeeze %dma_start3A_690 : memref<1x64xi32, #tpu.memory_space<vmem>> -> memref<64xi32, #tpu.memory_space<vmem>>
      %dma_start3A_692 = arith.constant 0 : i32
      %dma_start3A_693 = arith.constant 0 : i32
      %dma_start3A_694 = tpu.memref_slice %arg2[%dma_start3A_692, %dma_start3A_693] : memref<100000x128xf32, #tpu.memory_space<hbm>> -> memref<100000x128xf32, #tpu.memory_space<hbm>>
      tpu.enqueue_indirect_dma source(%dma_start3A_694 : memref<100000x128xf32, #tpu.memory_space<hbm>>) target(%dma_start3A_688 : memref<64x128xf32, #tpu.memory_space<vmem>>) offsets(%dma_start3A_691 : memref<64xi32, #tpu.memory_space<vmem>>) semaphore(%arg15 : memref<!tpu.dma_semaphore, #tpu.memory_space<semaphore_mem>>)
      %mul3A_695 = arith.constant 5 : i32
      %mul3A_696 = arith.muli %add3A_655, %mul3A_695 : i32
      %add3A_697 = arith.constant 3 : i32
      %add3A_698 = arith.addi %mul3A_696, %add3A_697 : i32
      %dma_start3A_699 = arith.constant 192 : i32
      %dma_start3A_700 = arith.constant 0 : i32
      %dma_start3A_701 = tpu.memref_slice %arg7[%dma_start3A_699, %dma_start3A_700] : memref<320x128xf32, #tpu.memory_space<vmem>> -> memref<64x128xf32, #tpu.memory_space<vmem>>
      %dma_start3A_702 = arith.constant 0 : i32
      %dma_start3A_703 = tpu.memref_slice %arg5[%add3A_698, %dma_start3A_702] : memref<100x64xi32, #tpu.memory_space<vmem>> -> memref<1x64xi32, #tpu.memory_space<vmem>>
      %dma_start3A_704 = tpu.memref_squeeze %dma_start3A_703 : memref<1x64xi32, #tpu.memory_space<vmem>> -> memref<64xi32, #tpu.memory_space<vmem>>
      %dma_start3A_705 = arith.constant 0 : i32
      %dma_start3A_706 = arith.constant 0 : i32
      %dma_start3A_707 = tpu.memref_slice %arg2[%dma_start3A_705, %dma_start3A_706] : memref<100000x128xf32, #tpu.memory_space<hbm>> -> memref<100000x128xf32, #tpu.memory_space<hbm>>
      tpu.enqueue_indirect_dma source(%dma_start3A_707 : memref<100000x128xf32, #tpu.memory_space<hbm>>) target(%dma_start3A_701 : memref<64x128xf32, #tpu.memory_space<vmem>>) offsets(%dma_start3A_704 : memref<64xi32, #tpu.memory_space<vmem>>) semaphore(%arg16 : memref<!tpu.dma_semaphore, #tpu.memory_space<semaphore_mem>>)
      %mul3A_708 = arith.constant 5 : i32
      %mul3A_709 = arith.muli %add3A_655, %mul3A_708 : i32
      %add3A_710 = arith.constant 4 : i32
      %add3A_711 = arith.addi %mul3A_709, %add3A_710 : i32
      %dma_start3A_712 = arith.constant 256 : i32
      %dma_start3A_713 = arith.constant 0 : i32
      %dma_start3A_714 = tpu.memref_slice %arg7[%dma_start3A_712, %dma_start3A_713] : memref<320x128xf32, #tpu.memory_space<vmem>> -> memref<64x128xf32, #tpu.memory_space<vmem>>
      %dma_start3A_715 = arith.constant 0 : i32
      %dma_start3A_716 = tpu.memref_slice %arg5[%add3A_711, %dma_start3A_715] : memref<100x64xi32, #tpu.memory_space<vmem>> -> memref<1x64xi32, #tpu.memory_space<vmem>>
      %dma_start3A_717 = tpu.memref_squeeze %dma_start3A_716 : memref<1x64xi32, #tpu.memory_space<vmem>> -> memref<64xi32, #tpu.memory_space<vmem>>
      %dma_start3A_718 = arith.constant 0 : i32
      %dma_start3A_719 = arith.constant 0 : i32
      %dma_start3A_720 = tpu.memref_slice %arg2[%dma_start3A_718, %dma_start3A_719] : memref<100000x128xf32, #tpu.memory_space<hbm>> -> memref<100000x128xf32, #tpu.memory_space<hbm>>
      tpu.enqueue_indirect_dma source(%dma_start3A_720 : memref<100000x128xf32, #tpu.memory_space<hbm>>) target(%dma_start3A_714 : memref<64x128xf32, #tpu.memory_space<vmem>>) offsets(%dma_start3A_717 : memref<64xi32, #tpu.memory_space<vmem>>) semaphore(%arg17 : memref<!tpu.dma_semaphore, #tpu.memory_space<semaphore_mem>>)
    }
    %scan3A_106 = arith.constant 9 : i32
    %dma_wait3A = arith.constant 90 : i32
    %dma_wait3A_107 = arith.constant 0 : i32
    %dma_wait3A_108 = arith.constant 0 : i32
    %dma_wait3A_109 = tpu.memref_slice %arg6[%dma_wait3A_107, %dma_wait3A_108] : memref<320x128xf32, #tpu.memory_space<vmem>> -> memref<64x128xf32, #tpu.memory_space<vmem>>
    %dma_wait3A_110 = arith.constant 0 : i32
    %dma_wait3A_111 = tpu.memref_slice %arg5[%dma_wait3A, %dma_wait3A_110] : memref<100x64xi32, #tpu.memory_space<vmem>> -> memref<1x64xi32, #tpu.memory_space<vmem>>
    %dma_wait3A_112 = tpu.memref_squeeze %dma_wait3A_111 : memref<1x64xi32, #tpu.memory_space<vmem>> -> memref<64xi32, #tpu.memory_space<vmem>>
    %dma_wait3A_113 = arith.constant 0 : i32
    %dma_wait3A_114 = arith.constant 0 : i32
    %dma_wait3A_115 = tpu.memref_slice %arg2[%dma_wait3A_113, %dma_wait3A_114] : memref<100000x128xf32, #tpu.memory_space<hbm>> -> memref<100000x128xf32, #tpu.memory_space<hbm>>
    tpu.wait_indirect_dma semaphore(%arg8 : memref<!tpu.dma_semaphore, #tpu.memory_space<semaphore_mem>>) src(%dma_wait3A_115 : memref<100000x128xf32, #tpu.memory_space<hbm>>) dst(%dma_wait3A_109 : memref<64x128xf32, #tpu.memory_space<vmem>>)
    %dma_wait3A_116 = arith.constant 91 : i32
    %dma_wait3A_117 = arith.constant 64 : i32
    %dma_wait3A_118 = arith.constant 0 : i32
    %dma_wait3A_119 = tpu.memref_slice %arg6[%dma_wait3A_117, %dma_wait3A_118] : memref<320x128xf32, #tpu.memory_space<vmem>> -> memref<64x128xf32, #tpu.memory_space<vmem>>
    %dma_wait3A_120 = arith.constant 0 : i32
    %dma_wait3A_121 = tpu.memref_slice %arg5[%dma_wait3A_116, %dma_wait3A_120] : memref<100x64xi32, #tpu.memory_space<vmem>> -> memref<1x64xi32, #tpu.memory_space<vmem>>
    %dma_wait3A_122 = tpu.memref_squeeze %dma_wait3A_121 : memref<1x64xi32, #tpu.memory_space<vmem>> -> memref<64xi32, #tpu.memory_space<vmem>>
    %dma_wait3A_123 = arith.constant 0 : i32
    %dma_wait3A_124 = arith.constant 0 : i32
    %dma_wait3A_125 = tpu.memref_slice %arg2[%dma_wait3A_123, %dma_wait3A_124] : memref<100000x128xf32, #tpu.memory_space<hbm>> -> memref<100000x128xf32, #tpu.memory_space<hbm>>
    tpu.wait_indirect_dma semaphore(%arg9 : memref<!tpu.dma_semaphore, #tpu.memory_space<semaphore_mem>>) src(%dma_wait3A_125 : memref<100000x128xf32, #tpu.memory_space<hbm>>) dst(%dma_wait3A_119 : memref<64x128xf32, #tpu.memory_space<vmem>>)
    %add3A_126 = arith.constant 5760 : i32
    %add3A_127 = arith.addi %mul3A_2, %add3A_126 : i32
    %add3A_128 = arith.constant 0 : i32
    %add3A_129 = arith.addi %add3A_127, %add3A_128 : i32
    %dma_start3A_130 = arith.constant 0 : i32
    %dma_start3A_131 = arith.constant 0 : i32
    %dma_start3A_132 = tpu.memref_slice %arg6[%dma_start3A_130, %dma_start3A_131] : memref<320x128xf32, #tpu.memory_space<vmem>> -> memref<128x128xf32, #tpu.memory_space<vmem>>
    %dma_start3A_133 = arith.constant 0 : i32
    %dma_start3A_134 = tpu.memref_slice %arg4[%add3A_129, %dma_start3A_133] : memref<204800x128xf32, #tpu.memory_space<hbm>> -> memref<128x128xf32, #tpu.memory_space<hbm>>
    %dma_start3A_135 = arith.constant 0 : i32
    %dma_start3A_136 = tpu.memref_slice %arg4[%add3A_129, %dma_start3A_135] : memref<204800x128xf32, #tpu.memory_space<hbm>> -> memref<128x128xf32, #tpu.memory_space<hbm>>
    %dma_start3A_137 = arith.constant 0 : i32
    %dma_start3A_138 = arith.constant 0 : i32
    %dma_start3A_139 = tpu.memref_slice %arg6[%dma_start3A_137, %dma_start3A_138] : memref<320x128xf32, #tpu.memory_space<vmem>> -> memref<128x128xf32, #tpu.memory_space<vmem>>
    tpu.enqueue_dma source(%dma_start3A_139 : memref<128x128xf32, #tpu.memory_space<vmem>>) target(%dma_start3A_136 : memref<128x128xf32, #tpu.memory_space<hbm>>) target_semaphore(%arg18 : memref<!tpu.dma_semaphore, #tpu.memory_space<semaphore_mem>>)
    %dma_wait3A_140 = arith.constant 92 : i32
    %dma_wait3A_141 = arith.constant 128 : i32
    %dma_wait3A_142 = arith.constant 0 : i32
    %dma_wait3A_143 = tpu.memref_slice %arg6[%dma_wait3A_141, %dma_wait3A_142] : memref<320x128xf32, #tpu.memory_space<vmem>> -> memref<64x128xf32, #tpu.memory_space<vmem>>
    %dma_wait3A_144 = arith.constant 0 : i32
    %dma_wait3A_145 = tpu.memref_slice %arg5[%dma_wait3A_140, %dma_wait3A_144] : memref<100x64xi32, #tpu.memory_space<vmem>> -> memref<1x64xi32, #tpu.memory_space<vmem>>
    %dma_wait3A_146 = tpu.memref_squeeze %dma_wait3A_145 : memref<1x64xi32, #tpu.memory_space<vmem>> -> memref<64xi32, #tpu.memory_space<vmem>>
    %dma_wait3A_147 = arith.constant 0 : i32
    %dma_wait3A_148 = arith.constant 0 : i32
    %dma_wait3A_149 = tpu.memref_slice %arg2[%dma_wait3A_147, %dma_wait3A_148] : memref<100000x128xf32, #tpu.memory_space<hbm>> -> memref<100000x128xf32, #tpu.memory_space<hbm>>
    tpu.wait_indirect_dma semaphore(%arg10 : memref<!tpu.dma_semaphore, #tpu.memory_space<semaphore_mem>>) src(%dma_wait3A_149 : memref<100000x128xf32, #tpu.memory_space<hbm>>) dst(%dma_wait3A_143 : memref<64x128xf32, #tpu.memory_space<vmem>>)
    %dma_wait3A_150 = arith.constant 93 : i32
    %dma_wait3A_151 = arith.constant 192 : i32
    %dma_wait3A_152 = arith.constant 0 : i32
    %dma_wait3A_153 = tpu.memref_slice %arg6[%dma_wait3A_151, %dma_wait3A_152] : memref<320x128xf32, #tpu.memory_space<vmem>> -> memref<64x128xf32, #tpu.memory_space<vmem>>
    %dma_wait3A_154 = arith.constant 0 : i32
    %dma_wait3A_155 = tpu.memref_slice %arg5[%dma_wait3A_150, %dma_wait3A_154] : memref<100x64xi32, #tpu.memory_space<vmem>> -> memref<1x64xi32, #tpu.memory_space<vmem>>
    %dma_wait3A_156 = tpu.memref_squeeze %dma_wait3A_155 : memref<1x64xi32, #tpu.memory_space<vmem>> -> memref<64xi32, #tpu.memory_space<vmem>>
    %dma_wait3A_157 = arith.constant 0 : i32
    %dma_wait3A_158 = arith.constant 0 : i32
    %dma_wait3A_159 = tpu.memref_slice %arg2[%dma_wait3A_157, %dma_wait3A_158] : memref<100000x128xf32, #tpu.memory_space<hbm>> -> memref<100000x128xf32, #tpu.memory_space<hbm>>
    tpu.wait_indirect_dma semaphore(%arg11 : memref<!tpu.dma_semaphore, #tpu.memory_space<semaphore_mem>>) src(%dma_wait3A_159 : memref<100000x128xf32, #tpu.memory_space<hbm>>) dst(%dma_wait3A_153 : memref<64x128xf32, #tpu.memory_space<vmem>>)
    %dma_wait3A_160 = arith.constant 94 : i32
    %dma_wait3A_161 = arith.constant 256 : i32
    %dma_wait3A_162 = arith.constant 0 : i32
    %dma_wait3A_163 = tpu.memref_slice %arg6[%dma_wait3A_161, %dma_wait3A_162] : memref<320x128xf32, #tpu.memory_space<vmem>> -> memref<64x128xf32, #tpu.memory_space<vmem>>
    %dma_wait3A_164 = arith.constant 0 : i32
    %dma_wait3A_165 = tpu.memref_slice %arg5[%dma_wait3A_160, %dma_wait3A_164] : memref<100x64xi32, #tpu.memory_space<vmem>> -> memref<1x64xi32, #tpu.memory_space<vmem>>
    %dma_wait3A_166 = tpu.memref_squeeze %dma_wait3A_165 : memref<1x64xi32, #tpu.memory_space<vmem>> -> memref<64xi32, #tpu.memory_space<vmem>>
    %dma_wait3A_167 = arith.constant 0 : i32
    %dma_wait3A_168 = arith.constant 0 : i32
    %dma_wait3A_169 = tpu.memref_slice %arg2[%dma_wait3A_167, %dma_wait3A_168] : memref<100000x128xf32, #tpu.memory_space<hbm>> -> memref<100000x128xf32, #tpu.memory_space<hbm>>
    tpu.wait_indirect_dma semaphore(%arg12 : memref<!tpu.dma_semaphore, #tpu.memory_space<semaphore_mem>>) src(%dma_wait3A_169 : memref<100000x128xf32, #tpu.memory_space<hbm>>) dst(%dma_wait3A_163 : memref<64x128xf32, #tpu.memory_space<vmem>>)
    %add3A_170 = arith.constant 5760 : i32
    %add3A_171 = arith.addi %mul3A_2, %add3A_170 : i32
    %add3A_172 = arith.constant 128 : i32
    %add3A_173 = arith.addi %add3A_171, %add3A_172 : i32
    %dma_start3A_174 = arith.constant 128 : i32
    %dma_start3A_175 = arith.constant 0 : i32
    %dma_start3A_176 = tpu.memref_slice %arg6[%dma_start3A_174, %dma_start3A_175] : memref<320x128xf32, #tpu.memory_space<vmem>> -> memref<192x128xf32, #tpu.memory_space<vmem>>
    %dma_start3A_177 = arith.constant 0 : i32
    %dma_start3A_178 = tpu.memref_slice %arg4[%add3A_173, %dma_start3A_177] : memref<204800x128xf32, #tpu.memory_space<hbm>> -> memref<192x128xf32, #tpu.memory_space<hbm>>
    %dma_start3A_179 = arith.constant 0 : i32
    %dma_start3A_180 = tpu.memref_slice %arg4[%add3A_173, %dma_start3A_179] : memref<204800x128xf32, #tpu.memory_space<hbm>> -> memref<192x128xf32, #tpu.memory_space<hbm>>
    %dma_start3A_181 = arith.constant 128 : i32
    %dma_start3A_182 = arith.constant 0 : i32
    %dma_start3A_183 = tpu.memref_slice %arg6[%dma_start3A_181, %dma_start3A_182] : memref<320x128xf32, #tpu.memory_space<vmem>> -> memref<192x128xf32, #tpu.memory_space<vmem>>
    tpu.enqueue_dma source(%dma_start3A_183 : memref<192x128xf32, #tpu.memory_space<vmem>>) target(%dma_start3A_180 : memref<192x128xf32, #tpu.memory_space<hbm>>) target_semaphore(%arg19 : memref<!tpu.dma_semaphore, #tpu.memory_space<semaphore_mem>>)
    %dma_wait3A_184 = arith.constant 95 : i32
    %dma_wait3A_185 = arith.constant 0 : i32
    %dma_wait3A_186 = arith.constant 0 : i32
    %dma_wait3A_187 = tpu.memref_slice %arg7[%dma_wait3A_185, %dma_wait3A_186] : memref<320x128xf32, #tpu.memory_space<vmem>> -> memref<64x128xf32, #tpu.memory_space<vmem>>
    %dma_wait3A_188 = arith.constant 0 : i32
    %dma_wait3A_189 = tpu.memref_slice %arg5[%dma_wait3A_184, %dma_wait3A_188] : memref<100x64xi32, #tpu.memory_space<vmem>> -> memref<1x64xi32, #tpu.memory_space<vmem>>
    %dma_wait3A_190 = tpu.memref_squeeze %dma_wait3A_189 : memref<1x64xi32, #tpu.memory_space<vmem>> -> memref<64xi32, #tpu.memory_space<vmem>>
    %dma_wait3A_191 = arith.constant 0 : i32
    %dma_wait3A_192 = arith.constant 0 : i32
    %dma_wait3A_193 = tpu.memref_slice %arg2[%dma_wait3A_191, %dma_wait3A_192] : memref<100000x128xf32, #tpu.memory_space<hbm>> -> memref<100000x128xf32, #tpu.memory_space<hbm>>
    tpu.wait_indirect_dma semaphore(%arg13 : memref<!tpu.dma_semaphore, #tpu.memory_space<semaphore_mem>>) src(%dma_wait3A_193 : memref<100000x128xf32, #tpu.memory_space<hbm>>) dst(%dma_wait3A_187 : memref<64x128xf32, #tpu.memory_space<vmem>>)
    %dma_wait3A_194 = arith.constant 96 : i32
    %dma_wait3A_195 = arith.constant 64 : i32
    %dma_wait3A_196 = arith.constant 0 : i32
    %dma_wait3A_197 = tpu.memref_slice %arg7[%dma_wait3A_195, %dma_wait3A_196] : memref<320x128xf32, #tpu.memory_space<vmem>> -> memref<64x128xf32, #tpu.memory_space<vmem>>
    %dma_wait3A_198 = arith.constant 0 : i32
    %dma_wait3A_199 = tpu.memref_slice %arg5[%dma_wait3A_194, %dma_wait3A_198] : memref<100x64xi32, #tpu.memory_space<vmem>> -> memref<1x64xi32, #tpu.memory_space<vmem>>
    %dma_wait3A_200 = tpu.memref_squeeze %dma_wait3A_199 : memref<1x64xi32, #tpu.memory_space<vmem>> -> memref<64xi32, #tpu.memory_space<vmem>>
    %dma_wait3A_201 = arith.constant 0 : i32
    %dma_wait3A_202 = arith.constant 0 : i32
    %dma_wait3A_203 = tpu.memref_slice %arg2[%dma_wait3A_201, %dma_wait3A_202] : memref<100000x128xf32, #tpu.memory_space<hbm>> -> memref<100000x128xf32, #tpu.memory_space<hbm>>
    tpu.wait_indirect_dma semaphore(%arg14 : memref<!tpu.dma_semaphore, #tpu.memory_space<semaphore_mem>>) src(%dma_wait3A_203 : memref<100000x128xf32, #tpu.memory_space<hbm>>) dst(%dma_wait3A_197 : memref<64x128xf32, #tpu.memory_space<vmem>>)
    %add3A_204 = arith.constant 6080 : i32
    %add3A_205 = arith.addi %mul3A_2, %add3A_204 : i32
    %add3A_206 = arith.constant 0 : i32
    %add3A_207 = arith.addi %add3A_205, %add3A_206 : i32
    %dma_start3A_208 = arith.constant 0 : i32
    %dma_start3A_209 = arith.constant 0 : i32
    %dma_start3A_210 = tpu.memref_slice %arg7[%dma_start3A_208, %dma_start3A_209] : memref<320x128xf32, #tpu.memory_space<vmem>> -> memref<128x128xf32, #tpu.memory_space<vmem>>
    %dma_start3A_211 = arith.constant 0 : i32
    %dma_start3A_212 = tpu.memref_slice %arg4[%add3A_207, %dma_start3A_211] : memref<204800x128xf32, #tpu.memory_space<hbm>> -> memref<128x128xf32, #tpu.memory_space<hbm>>
    %dma_start3A_213 = arith.constant 0 : i32
    %dma_start3A_214 = tpu.memref_slice %arg4[%add3A_207, %dma_start3A_213] : memref<204800x128xf32, #tpu.memory_space<hbm>> -> memref<128x128xf32, #tpu.memory_space<hbm>>
    %dma_start3A_215 = arith.constant 0 : i32
    %dma_start3A_216 = arith.constant 0 : i32
    %dma_start3A_217 = tpu.memref_slice %arg7[%dma_start3A_215, %dma_start3A_216] : memref<320x128xf32, #tpu.memory_space<vmem>> -> memref<128x128xf32, #tpu.memory_space<vmem>>
    tpu.enqueue_dma source(%dma_start3A_217 : memref<128x128xf32, #tpu.memory_space<vmem>>) target(%dma_start3A_214 : memref<128x128xf32, #tpu.memory_space<hbm>>) target_semaphore(%arg20 : memref<!tpu.dma_semaphore, #tpu.memory_space<semaphore_mem>>)
    %dma_wait3A_218 = arith.constant 97 : i32
    %dma_wait3A_219 = arith.constant 128 : i32
    %dma_wait3A_220 = arith.constant 0 : i32
    %dma_wait3A_221 = tpu.memref_slice %arg7[%dma_wait3A_219, %dma_wait3A_220] : memref<320x128xf32, #tpu.memory_space<vmem>> -> memref<64x128xf32, #tpu.memory_space<vmem>>
    %dma_wait3A_222 = arith.constant 0 : i32
    %dma_wait3A_223 = tpu.memref_slice %arg5[%dma_wait3A_218, %dma_wait3A_222] : memref<100x64xi32, #tpu.memory_space<vmem>> -> memref<1x64xi32, #tpu.memory_space<vmem>>
    %dma_wait3A_224 = tpu.memref_squeeze %dma_wait3A_223 : memref<1x64xi32, #tpu.memory_space<vmem>> -> memref<64xi32, #tpu.memory_space<vmem>>
    %dma_wait3A_225 = arith.constant 0 : i32
    %dma_wait3A_226 = arith.constant 0 : i32
    %dma_wait3A_227 = tpu.memref_slice %arg2[%dma_wait3A_225, %dma_wait3A_226] : memref<100000x128xf32, #tpu.memory_space<hbm>> -> memref<100000x128xf32, #tpu.memory_space<hbm>>
    tpu.wait_indirect_dma semaphore(%arg15 : memref<!tpu.dma_semaphore, #tpu.memory_space<semaphore_mem>>) src(%dma_wait3A_227 : memref<100000x128xf32, #tpu.memory_space<hbm>>) dst(%dma_wait3A_221 : memref<64x128xf32, #tpu.memory_space<vmem>>)
    %dma_wait3A_228 = arith.constant 98 : i32
    %dma_wait3A_229 = arith.constant 192 : i32
    %dma_wait3A_230 = arith.constant 0 : i32
    %dma_wait3A_231 = tpu.memref_slice %arg7[%dma_wait3A_229, %dma_wait3A_230] : memref<320x128xf32, #tpu.memory_space<vmem>> -> memref<64x128xf32, #tpu.memory_space<vmem>>
    %dma_wait3A_232 = arith.constant 0 : i32
    %dma_wait3A_233 = tpu.memref_slice %arg5[%dma_wait3A_228, %dma_wait3A_232] : memref<100x64xi32, #tpu.memory_space<vmem>> -> memref<1x64xi32, #tpu.memory_space<vmem>>
    %dma_wait3A_234 = tpu.memref_squeeze %dma_wait3A_233 : memref<1x64xi32, #tpu.memory_space<vmem>> -> memref<64xi32, #tpu.memory_space<vmem>>
    %dma_wait3A_235 = arith.constant 0 : i32
    %dma_wait3A_236 = arith.constant 0 : i32
    %dma_wait3A_237 = tpu.memref_slice %arg2[%dma_wait3A_235, %dma_wait3A_236] : memref<100000x128xf32, #tpu.memory_space<hbm>> -> memref<100000x128xf32, #tpu.memory_space<hbm>>
    tpu.wait_indirect_dma semaphore(%arg16 : memref<!tpu.dma_semaphore, #tpu.memory_space<semaphore_mem>>) src(%dma_wait3A_237 : memref<100000x128xf32, #tpu.memory_space<hbm>>) dst(%dma_wait3A_231 : memref<64x128xf32, #tpu.memory_space<vmem>>)
    %dma_wait3A_238 = arith.constant 99 : i32
    %dma_wait3A_239 = arith.constant 256 : i32
    %dma_wait3A_240 = arith.constant 0 : i32
    %dma_wait3A_241 = tpu.memref_slice %arg7[%dma_wait3A_239, %dma_wait3A_240] : memref<320x128xf32, #tpu.memory_space<vmem>> -> memref<64x128xf32, #tpu.memory_space<vmem>>
    %dma_wait3A_242 = arith.constant 0 : i32
    %dma_wait3A_243 = tpu.memref_slice %arg5[%dma_wait3A_238, %dma_wait3A_242] : memref<100x64xi32, #tpu.memory_space<vmem>> -> memref<1x64xi32, #tpu.memory_space<vmem>>
    %dma_wait3A_244 = tpu.memref_squeeze %dma_wait3A_243 : memref<1x64xi32, #tpu.memory_space<vmem>> -> memref<64xi32, #tpu.memory_space<vmem>>
    %dma_wait3A_245 = arith.constant 0 : i32
    %dma_wait3A_246 = arith.constant 0 : i32
    %dma_wait3A_247 = tpu.memref_slice %arg2[%dma_wait3A_245, %dma_wait3A_246] : memref<100000x128xf32, #tpu.memory_space<hbm>> -> memref<100000x128xf32, #tpu.memory_space<hbm>>
    tpu.wait_indirect_dma semaphore(%arg17 : memref<!tpu.dma_semaphore, #tpu.memory_space<semaphore_mem>>) src(%dma_wait3A_247 : memref<100000x128xf32, #tpu.memory_space<hbm>>) dst(%dma_wait3A_241 : memref<64x128xf32, #tpu.memory_space<vmem>>)
    %add3A_248 = arith.constant 6080 : i32
    %add3A_249 = arith.addi %mul3A_2, %add3A_248 : i32
    %add3A_250 = arith.constant 128 : i32
    %add3A_251 = arith.addi %add3A_249, %add3A_250 : i32
    %dma_start3A_252 = arith.constant 128 : i32
    %dma_start3A_253 = arith.constant 0 : i32
    %dma_start3A_254 = tpu.memref_slice %arg7[%dma_start3A_252, %dma_start3A_253] : memref<320x128xf32, #tpu.memory_space<vmem>> -> memref<192x128xf32, #tpu.memory_space<vmem>>
    %dma_start3A_255 = arith.constant 0 : i32
    %dma_start3A_256 = tpu.memref_slice %arg4[%add3A_251, %dma_start3A_255] : memref<204800x128xf32, #tpu.memory_space<hbm>> -> memref<192x128xf32, #tpu.memory_space<hbm>>
    %dma_start3A_257 = arith.constant 0 : i32
    %dma_start3A_258 = tpu.memref_slice %arg4[%add3A_251, %dma_start3A_257] : memref<204800x128xf32, #tpu.memory_space<hbm>> -> memref<192x128xf32, #tpu.memory_space<hbm>>
    %dma_start3A_259 = arith.constant 128 : i32
    %dma_start3A_260 = arith.constant 0 : i32
    %dma_start3A_261 = tpu.memref_slice %arg7[%dma_start3A_259, %dma_start3A_260] : memref<320x128xf32, #tpu.memory_space<vmem>> -> memref<192x128xf32, #tpu.memory_space<vmem>>
    tpu.enqueue_dma source(%dma_start3A_261 : memref<192x128xf32, #tpu.memory_space<vmem>>) target(%dma_start3A_258 : memref<192x128xf32, #tpu.memory_space<hbm>>) target_semaphore(%arg21 : memref<!tpu.dma_semaphore, #tpu.memory_space<semaphore_mem>>)
    %add3A_262 = arith.constant 5760 : i32
    %add3A_263 = arith.addi %mul3A_2, %add3A_262 : i32
    %add3A_264 = arith.constant 0 : i32
    %add3A_265 = arith.addi %add3A_263, %add3A_264 : i32
    %dma_wait3A_266 = arith.constant 0 : i32
    %dma_wait3A_267 = arith.constant 0 : i32
    %dma_wait3A_268 = tpu.memref_slice %arg6[%dma_wait3A_266, %dma_wait3A_267] : memref<320x128xf32, #tpu.memory_space<vmem>> -> memref<128x128xf32, #tpu.memory_space<vmem>>
    %dma_wait3A_269 = arith.constant 0 : i32
    %dma_wait3A_270 = tpu.memref_slice %arg4[%add3A_265, %dma_wait3A_269] : memref<204800x128xf32, #tpu.memory_space<hbm>> -> memref<128x128xf32, #tpu.memory_space<hbm>>
    %dma_wait3A_271 = arith.constant 0 : i32
    %dma_wait3A_272 = tpu.memref_slice %arg4[%add3A_265, %dma_wait3A_271] : memref<204800x128xf32, #tpu.memory_space<hbm>> -> memref<128x128xf32, #tpu.memory_space<hbm>>
    %dma_wait3A_273 = arith.constant 0 : i32
    %dma_wait3A_274 = arith.constant 0 : i32
    %dma_wait3A_275 = tpu.memref_slice %arg6[%dma_wait3A_273, %dma_wait3A_274] : memref<320x128xf32, #tpu.memory_space<vmem>> -> memref<128x128xf32, #tpu.memory_space<vmem>>
    tpu.wait_dma2 semaphore(%arg18 : memref<!tpu.dma_semaphore, #tpu.memory_space<semaphore_mem>>) src(%dma_wait3A_275 : memref<128x128xf32, #tpu.memory_space<vmem>>) dst(%dma_wait3A_272 : memref<128x128xf32, #tpu.memory_space<hbm>>)
    %add3A_276 = arith.constant 5760 : i32
    %add3A_277 = arith.addi %mul3A_2, %add3A_276 : i32
    %add3A_278 = arith.constant 128 : i32
    %add3A_279 = arith.addi %add3A_277, %add3A_278 : i32
    %dma_wait3A_280 = arith.constant 128 : i32
    %dma_wait3A_281 = arith.constant 0 : i32
    %dma_wait3A_282 = tpu.memref_slice %arg6[%dma_wait3A_280, %dma_wait3A_281] : memref<320x128xf32, #tpu.memory_space<vmem>> -> memref<192x128xf32, #tpu.memory_space<vmem>>
    %dma_wait3A_283 = arith.constant 0 : i32
    %dma_wait3A_284 = tpu.memref_slice %arg4[%add3A_279, %dma_wait3A_283] : memref<204800x128xf32, #tpu.memory_space<hbm>> -> memref<192x128xf32, #tpu.memory_space<hbm>>
    %dma_wait3A_285 = arith.constant 0 : i32
    %dma_wait3A_286 = tpu.memref_slice %arg4[%add3A_279, %dma_wait3A_285] : memref<204800x128xf32, #tpu.memory_space<hbm>> -> memref<192x128xf32, #tpu.memory_space<hbm>>
    %dma_wait3A_287 = arith.constant 128 : i32
    %dma_wait3A_288 = arith.constant 0 : i32
    %dma_wait3A_289 = tpu.memref_slice %arg6[%dma_wait3A_287, %dma_wait3A_288] : memref<320x128xf32, #tpu.memory_space<vmem>> -> memref<192x128xf32, #tpu.memory_space<vmem>>
    tpu.wait_dma2 semaphore(%arg19 : memref<!tpu.dma_semaphore, #tpu.memory_space<semaphore_mem>>) src(%dma_wait3A_289 : memref<192x128xf32, #tpu.memory_space<vmem>>) dst(%dma_wait3A_286 : memref<192x128xf32, #tpu.memory_space<hbm>>)
    %add3A_290 = arith.constant 6080 : i32
    %add3A_291 = arith.addi %mul3A_2, %add3A_290 : i32
    %add3A_292 = arith.constant 0 : i32
    %add3A_293 = arith.addi %add3A_291, %add3A_292 : i32
    %dma_wait3A_294 = arith.constant 0 : i32
    %dma_wait3A_295 = arith.constant 0 : i32
    %dma_wait3A_296 = tpu.memref_slice %arg7[%dma_wait3A_294, %dma_wait3A_295] : memref<320x128xf32, #tpu.memory_space<vmem>> -> memref<128x128xf32, #tpu.memory_space<vmem>>
    %dma_wait3A_297 = arith.constant 0 : i32
    %dma_wait3A_298 = tpu.memref_slice %arg4[%add3A_293, %dma_wait3A_297] : memref<204800x128xf32, #tpu.memory_space<hbm>> -> memref<128x128xf32, #tpu.memory_space<hbm>>
    %dma_wait3A_299 = arith.constant 0 : i32
    %dma_wait3A_300 = tpu.memref_slice %arg4[%add3A_293, %dma_wait3A_299] : memref<204800x128xf32, #tpu.memory_space<hbm>> -> memref<128x128xf32, #tpu.memory_space<hbm>>
    %dma_wait3A_301 = arith.constant 0 : i32
    %dma_wait3A_302 = arith.constant 0 : i32
    %dma_wait3A_303 = tpu.memref_slice %arg7[%dma_wait3A_301, %dma_wait3A_302] : memref<320x128xf32, #tpu.memory_space<vmem>> -> memref<128x128xf32, #tpu.memory_space<vmem>>
    tpu.wait_dma2 semaphore(%arg20 : memref<!tpu.dma_semaphore, #tpu.memory_space<semaphore_mem>>) src(%dma_wait3A_303 : memref<128x128xf32, #tpu.memory_space<vmem>>) dst(%dma_wait3A_300 : memref<128x128xf32, #tpu.memory_space<hbm>>)
    %add3A_304 = arith.constant 6080 : i32
    %add3A_305 = arith.addi %mul3A_2, %add3A_304 : i32
    %add3A_306 = arith.constant 128 : i32
    %add3A_307 = arith.addi %add3A_305, %add3A_306 : i32
    %dma_wait3A_308 = arith.constant 128 : i32
    %dma_wait3A_309 = arith.constant 0 : i32
    %dma_wait3A_310 = tpu.memref_slice %arg7[%dma_wait3A_308, %dma_wait3A_309] : memref<320x128xf32, #tpu.memory_space<vmem>> -> memref<192x128xf32, #tpu.memory_space<vmem>>
    %dma_wait3A_311 = arith.constant 0 : i32
    %dma_wait3A_312 = tpu.memref_slice %arg4[%add3A_307, %dma_wait3A_311] : memref<204800x128xf32, #tpu.memory_space<hbm>> -> memref<192x128xf32, #tpu.memory_space<hbm>>
    %dma_wait3A_313 = arith.constant 0 : i32
    %dma_wait3A_314 = tpu.memref_slice %arg4[%add3A_307, %dma_wait3A_313] : memref<204800x128xf32, #tpu.memory_space<hbm>> -> memref<192x128xf32, #tpu.memory_space<hbm>>
    %dma_wait3A_315 = arith.constant 128 : i32
    %dma_wait3A_316 = arith.constant 0 : i32
    %dma_wait3A_317 = tpu.memref_slice %arg7[%dma_wait3A_315, %dma_wait3A_316] : memref<320x128xf32, #tpu.memory_space<vmem>> -> memref<192x128xf32, #tpu.memory_space<vmem>>
    tpu.wait_dma2 semaphore(%arg21 : memref<!tpu.dma_semaphore, #tpu.memory_space<semaphore_mem>>) src(%dma_wait3A_317 : memref<192x128xf32, #tpu.memory_space<vmem>>) dst(%dma_wait3A_314 : memref<192x128xf32, #tpu.memory_space<hbm>>)
    return
  }
}

</mosaic_0001>

<sc_bundles>
// kernel: kernel.3.cloned.1.call-start
scs
__scs_entry_jumppad:
0x0: {  	(pc) =	sbr.rel $0x88, $3  }
0x1: {  	(tag) =	ssettag $0x0;
	lr =	simm.s32 $0x1  }
0x2: {  	[smem:$0x3F9F] =	sst lr;
	_ =	strace $0xD0000000  }
0x3: {  	_ = 	snop  }
0x4: {  	_ = 	snop  }
0x5: {  	_ = 	snop  }
0x6: {  	_ = 	snop  }
0x7: {  	_ = 	snop  }
__scs_overlays_trampoline_lowered:
0x8: {  	[smem:$0x3FAE] =	sst s0  }
0x9: {  	[smem:$0x3FAF] =	sst s1  }
0xa: {  	[smem:$0x3FB0] =	sst s2  }
0xb: {  	[smem:$0x3FB1] =	sst s3  }
0xc: {  	[smem:$0x3FB2] =	sst s4  }
0xd: {  	[smem:$0x3FB3] =	sst s5  }
0xe: {  	[smem:$0x3FB4] =	sst s6  }
0xf: {  	[smem:$0x3FB5] =	sst s7  }
0x10: {  	[smem:$0x3FB6] =	sst s8  }
0x11: {  	[smem:$0x3FB7] =	sst s9;
	s0 =	simm.s32 @!p0 $0x0  }
0x12: {  	s1 =	sld [smem:$0x3F9D];
	s0 =	simm.s32 @p0 $0x1  }
0x13: {  	[smem:$0x3FB8] =	sst s0;
	s0 =	simm.s32 @!p1 $0x0  }
0x14: {  	s2 =	sld [smem:$0x3F9C];
	s0 =	simm.s32 @p1 $0x1  }
0x15: {  	[smem:$0x3FB9] =	sst s0;
	s0 =	simm.s32 @!p2 $0x0  }
0x16: {  	s3 =	sld [smem:$0x3FDB];
	s0 =	simm.s32 @p2 $0x1  }
0x17: {  	s4 =	simm.s32 $0x1BF5;
	[smem:$0x3FBB] =	sst s0  }
0x18: {  	s0 =	sld [smem:$0x3F9E];
	_ =	swait.ge [sflag:s4], $0x0  }
0x19: {  	s7 =	sld [smem:$0x3F9F]  }
0x1a: {  	s8 =	sadd.s32 $0xFFFFE003, lr  }
0x1b: {  	s9 =	sadd.s32 $0xFFFFFEF7, lr;
	s5 =	simm.s32 $0xFFFFFFFF;
	p2 =	slt.u32 s8, $0xFFFFF086  }
0x1c: {  	p1 =	slt.u32 s9, $0xF7A;
	s5 =	simm.s32 @!p2 $0x0  }
0x1d: {  	s5 =	simm.s32 @p1 $0x1;
	p0 =	seq.s32 s7, s2  }
0x1e: {  	s7 =	smul.u32 @!p0 $0xF7A, s2;
	p2 =	seq.s32 @!p0 s5, $0x0  }
0x1f: {  	s9 =	smul.u32 $0xF7A, s1;
	s8 =	simm.s32 @!p0 $0x1BF5;
	p2 =	por !p2, p0  }
0x20: {  	[sflag:s8] =	ssyncset.s32 @!p0 $0xFFFFF086;
	s6 =	sadd.s32 @!p0 s3, s7;
	s7 =	simm.s32 @!p0 $0x108  }
0x21: {  	s3 =	sadd.s32 s3, s9;
	s6 =	sadd.s32 @!p0 $0x88, s6;
	s7 =	simm.s32 @p2 $0x1082  }
0x22: {  	[simem:s7], [sflag:s8] =	dma.local @!p0 [hbm:s6], $0xF7A  }
0x23: {  	s9 =	sor.u32 $0xD0000000, s2;
	s6 =	simm.s32 $0x108;
	_ =	swait.ge @!p0 [sflag:s8], $0x0  }
0x24: {  	s3 =	sadd.s32 $0x88, s3;
	s6 =	simm.s32 @!p1 $0x1082;
	[sflag:s4] =	ssyncset.s32 $0xFFFFF086  }
0x25: {  	[simem:s6], [sflag:s4] =	dma.local [hbm:s3], $0xF7A  }
0x26: {  	[smem:$0x3F9F] =	sst s1;
	(tag) =	ssettag s2;
	_ =	strace s9  }
0x27: {  	s1 =	sld [smem:$0x3FAF]  }
0x28: {  	s2 =	sld [smem:$0x3FB0]  }
0x29: {  	s4 =	sld [smem:$0x3FB2]  }
0x2a: {  	p0 =	seq.s32 s5, $0x0;
	s5 =	sld [smem:$0x3FB3]  }
0x2b: {  	s6 =	sld [smem:$0x3FB4]  }
0x2c: {  	s7 =	sld [smem:$0x3FB5]  }
0x2d: {  	s3 =	simm.s32 $0x108;
	s8 =	sld [smem:$0x3FB6]  }
0x2e: {  	s3 =	simm.s32 @!p0 $0x1082;
	s9 =	sld [smem:$0x3FB7]  }
0x2f: {  	lr =	sadd.s32 s0, s3;
	s0 =	sld [smem:$0x3FAE]  }
0x30: {  	s3 =	sld [smem:$0x3FB1]  }
0x31: {  	[smem:$0x3FBA] =	sst s10  }
0x32: {  	s10 =	sld [smem:$0x3FB8];
	_ =	sdelay $0x3  }
0x33: {  	p0 =	seq.s32 s10, $0x1;
	s10 =	sld [smem:$0x3FBA];
	_ =	sdelay $0x3  }
0x34: {  	[smem:$0x3FBA] =	sst s10  }
0x35: {  	s10 =	sld [smem:$0x3FB9];
	_ =	sdelay $0x3  }
0x36: {  	p1 =	seq.s32 s10, $0x1;
	s10 =	sld [smem:$0x3FBA];
	_ =	sdelay $0x3  }
0x37: {  	[smem:$0x3FBA] =	sst s10  }
0x38: {  	s10 =	sld [smem:$0x3FBB]  }
0x39: {  	_ = 	snop;
	(pc) =	sbr.ind lr, $3  }
0x3a: {  	_ = 	snop  }
0x3b: {  	_ = 	snop  }
0x3c: {  	p2 =	seq.s32 s10, $0x1;
	s10 =	sld [smem:$0x3FBA]  }
0x3d: {  	_ =	shalt  }
0x3e: {  	_ =	shalt  }
0x3f: {  	_ =	shalt  }
0x40: {  	_ =	shalt  }
0x41: {  	_ =	shalt  }
0x42: {  	_ =	shalt  }
0x43: {  	_ =	shalt  }
0x44: {  	_ =	shalt  }
0x45: {  	_ =	shalt  }
0x46: {  	_ =	shalt  }
0x47: {  	_ =	shalt  }
0x48: {  	_ =	shalt  }
0x49: {  	_ =	shalt  }
0x4a: {  	_ =	shalt  }
0x4b: {  	_ =	shalt  }
0x4c: {  	_ =	shalt  }
0x4d: {  	_ =	shalt  }
0x4e: {  	_ =	shalt  }
0x4f: {  	_ =	shalt  }
0x50: {  	_ =	shalt  }
0x51: {  	_ =	shalt  }
0x52: {  	_ =	shalt  }
0x53: {  	_ =	shalt  }
0x54: {  	_ =	shalt  }
0x55: {  	_ =	shalt  }
0x56: {  	_ =	shalt  }
0x57: {  	_ =	shalt  }
0x58: {  	_ =	shalt  }
0x59: {  	_ =	shalt  }
0x5a: {  	_ =	shalt  }
0x5b: {  	_ =	shalt  }
0x5c: {  	_ =	shalt  }
0x5d: {  	_ =	shalt  }
0x5e: {  	_ =	shalt  }
0x5f: {  	_ =	shalt  }
0x60: {  	_ =	shalt  }
0x61: {  	_ =	shalt  }
0x62: {  	_ =	shalt  }
0x63: {  	_ =	shalt  }
0x64: {  	_ =	shalt  }
0x65: {  	_ =	shalt  }
0x66: {  	_ =	shalt  }
0x67: {  	_ =	shalt  }
0x68: {  	_ =	shalt  }
0x69: {  	_ =	shalt  }
0x6a: {  	_ =	shalt  }
0x6b: {  	_ =	shalt  }
0x6c: {  	_ =	shalt  }
0x6d: {  	_ =	shalt  }
0x6e: {  	_ =	shalt  }
0x6f: {  	_ =	shalt  }
0x70: {  	_ =	shalt  }
0x71: {  	_ =	shalt  }
0x72: {  	_ =	shalt  }
0x73: {  	_ =	shalt  }
0x74: {  	_ =	shalt  }
0x75: {  	_ =	shalt  }
0x76: {  	_ =	shalt  }
0x77: {  	_ =	shalt  }
0x78: {  	_ =	shalt  }
0x79: {  	_ =	shalt  }
0x7a: {  	_ =	shalt  }
0x7b: {  	_ =	shalt  }
0x7c: {  	_ =	shalt  }
0x7d: {  	_ =	shalt  }
0x7e: {  	_ =	shalt  }
0x7f: {  	_ =	shalt  }
0x80: {  	_ =	shalt  }
0x81: {  	_ =	shalt  }
0x82: {  	_ =	shalt  }
0x83: {  	_ =	shalt  }
0x84: {  	_ =	shalt  }
0x85: {  	_ =	shalt  }
0x86: {  	_ =	shalt  }
0x87: {  	_ =	shalt  }
.Lfunc_end0:
.L_simem_size_0:
called_computation_lowered:
.L_overlay_start_0:
0x88: {  	s2 =	sld [smem:$0x3FD9]  }
0x89: {  	s3 =	sld [smem:$0x3FFE];
	_ =	sdelay $0x1  }
0x8a: {  	s1 =	srdreg.scid  }
0x8b: {  	s0 =	sand.u32 $0x1, s1  }
0x8c: {  	s17 =	sshll.u32 s0, $0xA;
	s2 =	sadd.s32 s3, s2  }
0x8d: {  	s2 =	sadd.s32 s2, s17  }
0x8e: {  	[smem:$0x3FC6] =	sst s2  }
0x8f: {  	_ = 	snop  }
0x90: {  	s2 =	sld [smem:$0x3FC8]  }
0x91: {  	s18 =	sld [smem:$0x3FD0];
	(tm) =	ssettm $0x1  }
0x92: {  	s4 =	sld [smem:$0x3FFB];
	_ =	sdelay $0x3  }
0x93: {  	_ =	strace s4  }
0x94: {  	s4 =	sld [smem:$0x3FFC];
	_ =	sdelay $0x3  }
0x95: {  	_ =	strace s4  }
0x96: {  	s4 =	sld [smem:$0x3FFD];
	_ =	sdelay $0x3  }
0x97: {  	_ =	strace s4  }
0x98: {  	_ =	strace $0x8FFFFFFF  }
0x99: {  	s19 =	sld [smem:$0x3FDB];
	_ =	sdelay $0x1  }
0x9a: {  	s5 =	simm.s32 $_scs_section_size  }
0x9b: {  	s6 =	simm.s32 $_size__tile_overlayer_lowered;
	s7 =	simm.s32 $_tile_overlayer_lowered  }
0x9c: {  	s22 =	simm.s32 $0x1BFF;
	s21 =	sshll.u32 s7, $0x1;
	s4 =	sadd.s32 s5, s19  }
0x9d: {  	s8 =	simm.s32 $0x0;
	s20 =	sshll.u32 s6, $0x1;
	s6 =	sadd.s32 s21, s4  }
0x9e: {  	[timem:s8], [sflag:s22] =	dma.local [hbm:s6], s20  }
0x9f: {  	_ =	swait.ge [sflag:s22], s20  }
0xa0: {  	s5 =	ssub.s32 $0x0, s20;
	[sflag:s22] =	ssyncset.done $0x0  }
0xa1: {  	[sflag:s22] =	ssyncadd.s32 s5;
	_ =	sdelay $0x1  }
0xa2: {  	s23 =	simm.s32 $0x1B8B  }
0xa3: {  	_ =	swait.ge [sflag:s23], $0x1  }
0xa4: {  	[sflag:s23] =	ssyncset.done $0x0  }
0xa5: {  	s25 =	simm.s32 $0x1B8E;
	s24 =	sld [smem:$0x3FFE];
	[sflag:s23] =	ssyncadd.s32 $0xFFFFFFFF  }
0xa6: {  	s26 =	simm.s32 $execute0_lowered;
	[smem:$0x3FD2] =	sst s25  }
0xa7: {  	s6 =	sshll.u32 s26, $0x1;
	_ =	strace $0x80000046;
	[dreg:$0x1] =	wrdreg $0xFFFFFFFF  }
0xa8: {  	s28 =	simm.s32 $_size_execute0_lowered;
	s4 =	sadd.s32 s4, s6;
	[dreg:$0x0] =	wrdreg $0x0  }
0xa9: {  	s6 =	sshll.u32 s28, $0x1;
	[dreg:$0x2] =	wrdreg s4  }
0xaa: {  	[dreg:$0x3] =	wrdreg s6  }
0xab: {  	[dreg:$0x4] =	wrdreg $0xC0  }
0xac: {  	_ =	task [dreg:s8], $0x5FFFF  }
0xad: {  	[dreg:$0x1] =	wrdreg $0xFFFFFFFF  }
0xae: {  	[dreg:$0x0] =	wrdreg $0x60  }
0xaf: {  	[dreg:$0x2] =	wrdreg s2  }
0xb0: {  	[dreg:$0x3] =	wrdreg s24  }
0xb1: {  	[dreg:$0x4] =	wrdreg s18  }
0xb2: {  	[dreg:$0x5] =	wrdreg $0x9  }
0xb3: {  	_ =	task.clear_ibuf [dreg:s8], $0x6FFFF;
	_ =	strace $0x90000046  }
0xb4: {  	s29 =	simm.s32 $0x9;
	_ =	strace $0x80000048  }
0xb5: {  	_ =	swait.ge [sflag:s29], $0x1  }
0xb6: {  	[sflag:s29] =	ssyncadd.s32 $0xFFFFFFFF  }
0xb7: {  	_ =	strace $0x90000048  }
0xb8: {  	_ =	sfence  }
0xb9: {  	s30 =	sld [smem:$0x0];
	_ =	sdelay $0x2  }
0xba: {  	s31 =	sshll.u32 s1, $0xD;
	s1 =	sshrl.u32 s1, $0x2  }
0xbb: {  	s3 =	sand.u32 $0x4000, s31;
	s1 =	sadd.s32 s1, s30  }
0xbc: {  	s0 =	sor.u32 s3, s0;
	s1 =	sshll.u32 s1, $0x11  }
0xbd: {  	s0 =	sor.u32 s1, s0  }
0xbe: {  	s0 =	sadd.s32 $0x8F2B, s0  }
0xbf: {  	[sflag:s0] =	ssyncadd.remote.s32 $0x1  }
0xc0: {  	_ =	sfence.sel $0xFFFF  }
0xc1: {  	[dreg:$0x0] =	wrdreg $0xFFFFFFFF;
	(pc) =	sbr.abs _section_cstart, $3  }
0xc2: {  	[dreg:$0x1] =	wrdreg $0xFFFFFFFF  }
0xc3: {  	_ =	task.clear_ibuf [dreg:s8], $0x2FFFF;
	_ =	strace $0x9FFFFFFF  }
0xc4: {  	(tm) =	ssettm $0x7FFFFFFF  }
0xc5: {  	_ =	shalt  }
tec
execute0_lowered:
.L_overlay_start_1:
0x0: {  	(tag) =	ssettag $0x1  }
0x1: {  	s1 =	rddreg [dreg:$0x0]  }
0x2: {  	s0 =	srdreg.scid;
	s2 =	rddreg [dreg:$0x1]  }
0x3: {  	s8 =	stileid.u32;
	s4 =	rddreg [dreg:$0x2];
	s12 =	simm.s32 $0x40  }
0x4: {  	s13 =	simm.s32 $0x3400;
	s15 =	simm.s32 $0x5400;
	s17 =	simm.s32 $0x7400  }
0x5: {  	s19 =	simm.s32 $0x9400;
	s28 =	simm.s32 $0x11400;
	s30 =	simm.s32 $0x13400  }
0x6: {  	s14 =	simm.s32 $0x2;
	s16 =	simm.s32 $0x3;
	s18 =	simm.s32 $0x4  }
0x7: {  	s29 =	simm.s32 $0x9;
	s0 =	sand.u32 $0x1, s0;
	s3 =	sshll.u32 s8, $0x1  }
0x8: {  	s31 =	simm.s32 $0xA;
	s8 =	smul.u32 $0x32000, s8;
	s5 =	sor.u32 s0, s3  }
0x9: {  	s3 =	simm.s32 $0x0;
	s20 =	ssub.s32 $0x2, s0;
	s0 =	smul.u32 $0x19000, s0  }
0xa: {  	s9 =	simm.s32 $0x0;
	s6 =	smul.u32 $0x680, s5;
	[smem:$0x7FF] =	sst s3  }
0xb: {  	s5 =	smul.u32 $0xC8000, s5;
	s7 =	sshrl.u32 s20, $0x1;
	s22 =	sadd.s32 s8, s4  }
0xc: {  	_ =	strace $0x80000047;
	s0 =	sadd.s32 s0, s22;
	s22 =	simm.s32 $0x6  }
0xd: {  	s2 =	sadd.s32 s6, s2;
	s5 =	sshrl.u32 s5, $0x3;
	s6 =	ssub.s32 s20, s7  }
0xe: {  	s0 =	sadd.s32 $0x1C00, s0;
	s20 =	simm.s32 $0x5;
	s7 =	simm.s32 $0xE  }
0xf: {  	s5 =	sadd.s32 s4, s5;
	s2 =	sadd.s32 $0x400, s2;
	[dreg:$0xa] =	wrdreg s0  }
0x10: {  	s26 =	smax.u32 s6, $0x1;
	s0 =	simm.s32 $0x1;
	[dreg:$0x4] =	wrdreg s2  }
0x11: {  	s4 =	simm.s32 $0xB;
	s21 =	sadd.s32 $0x16800, s5;
	[dreg:$0x9] =	wrdreg s26  }
0x12: {  	s6 =	simm.s32 $0xD;
	s23 =	sadd.s32 $0x17000, s5;
	[dreg:$0x5] =	wrdreg s21  }
0x13: {  	s24 =	sadd.s32 $0x17C00, s5;
	s25 =	sadd.s32 $0x18400, s5;
	[dreg:$0x6] =	wrdreg s23  }
0x14: {  	s2 =	simm.s32 $0x15400;
	s26 =	simm.s32 $0x8;
	[dreg:$0x7] =	wrdreg s24  }
0x15: {  	s5 =	simm.s32 $0xC;
	[dreg:$0x8] =	wrdreg s25;
	s21 =	simm.s32 $0xB400  }
0x16: {  	s23 =	simm.s32 $0xD400;
	s25 =	simm.s32 $0xF400;
	s24 =	simm.s32 $0x7  }
.LBB2_1:
0x17: {  	[dreg:$0xb] =	wrdreg s9  }
0x18: {  	s8 =	rddreg [dreg:$0x4];
	s9 =	simm.s32 $0xF  }
0x19: {  	[tilespmem:s3], [sflag:$0xF] =	stream.linear.gather [hbm4b:s8+s3], $0x3200, $0x38;
	[tilespmem:$0x17400] =	vst v63  }
0x1a: {  	_ =	swait.ge [sflag:s9], $0x3200  }
0x1b: {  	[sflag:s9] =	ssyncset.done $0x0  }
0x1c: {  	[sflag:s9] =	ssyncadd.s32 $0xFFFFCE00  }
0x1d: {  	[tilespmem:s13], [sflag:$0x1] =	stream.indirect.gather [hbm4b:s1+s12], $0x80, s3, s12, $0xb8;
	[tilespmem:$0x17400] =	vst v63  }
0x1e: {  	s10 =	simm.s32 $0x80  }
0x1f: {  	[tilespmem:s15], [sflag:$0x2] =	stream.indirect.gather [hbm4b:s1+s12], $0x80, s10, s12, $0xb8;
	[tilespmem:$0x17400] =	vst v63  }
0x20: {  	s11 =	simm.s32 $0x100  }
0x21: {  	[tilespmem:s17], [sflag:$0x3] =	stream.indirect.gather [hbm4b:s1+s12], $0x80, s11, s12, $0xb8;
	[tilespmem:$0x17400] =	vst v63  }
0x22: {  	s9 =	simm.s32 $0x180  }
0x23: {  	[tilespmem:s19], [sflag:$0x4] =	stream.indirect.gather [hbm4b:s1+s12], $0x80, s9, s12, $0xb8;
	[tilespmem:$0x17400] =	vst v63  }
0x24: {  	s10 =	simm.s32 $0x200  }
0x25: {  	[tilespmem:s21], [sflag:$0x5] =	stream.indirect.gather [hbm4b:s1+s12], $0x80, s10, s12, $0xb8;
	[tilespmem:$0x17400] =	vst v63  }
0x26: {  	s11 =	simm.s32 $0x280  }
0x27: {  	[tilespmem:s23], [sflag:$0x6] =	stream.indirect.gather [hbm4b:s1+s12], $0x80, s11, s12, $0xb8;
	[tilespmem:$0x17400] =	vst v63  }
0x28: {  	s9 =	simm.s32 $0x300  }
0x29: {  	[tilespmem:s25], [sflag:$0x7] =	stream.indirect.gather [hbm4b:s1+s12], $0x80, s9, s12, $0xb8;
	[tilespmem:$0x17400] =	vst v63  }
0x2a: {  	s10 =	simm.s32 $0x380  }
0x2b: {  	[tilespmem:s28], [sflag:$0x8] =	stream.indirect.gather [hbm4b:s1+s12], $0x80, s10, s12, $0xb8;
	[tilespmem:$0x17400] =	vst v63  }
0x2c: {  	s11 =	simm.s32 $0x400  }
0x2d: {  	[tilespmem:s30], [sflag:$0x9] =	stream.indirect.gather [hbm4b:s1+s12], $0x80, s11, s12, $0xb8;
	[tilespmem:$0x17400] =	vst v63  }
0x2e: {  	s9 =	simm.s32 $0x480  }
0x2f: {  	[tilespmem:s2], [sflag:$0xA] =	stream.indirect.gather [hbm4b:s1+s12], $0x80, s9, s12, $0xb8;
	[tilespmem:$0x17400] =	vst v63  }
0x30: {  	_ =	swait.ge [sflag:s0], $0x2000  }
0x31: {  	[sflag:s0] =	ssyncset.done $0x0  }
0x32: {  	[sflag:s0] =	ssyncadd.s32 $0xFFFFE000  }
0x33: {  	_ =	swait.ge [sflag:s14], $0x2000  }
0x34: {  	[sflag:s14] =	ssyncset.done $0x0;
	s8 =	rddreg [dreg:$0xa]  }
0x35: {  	[sflag:s14] =	ssyncadd.s32 $0xFFFFE000;
	s10 =	sadd.s32 $0xFFFFE400, s8  }
0x36: {  	[hbm4b:s10+s3] =	stream.linear.scatter [tilespmem:s13], [sflag:$0xB], $0x4000, $0x38;
	[tilespmem:$0x17400] =	vst v63  }
0x37: {  	_ =	swait.ge [sflag:s16], $0x2000  }
0x38: {  	[sflag:s16] =	ssyncset.done $0x0  }
0x39: {  	[sflag:s16] =	ssyncadd.s32 $0xFFFFE000  }
0x3a: {  	_ =	swait.ge [sflag:s18], $0x2000  }
0x3b: {  	[sflag:s18] =	ssyncset.done $0x0  }
0x3c: {  	[sflag:s18] =	ssyncadd.s32 $0xFFFFE000  }
0x3d: {  	_ =	swait.ge [sflag:s20], $0x2000  }
0x3e: {  	[sflag:s20] =	ssyncset.done $0x0  }
0x3f: {  	s11 =	sadd.s32 $0xFFFFEC00, s8;
	[sflag:s20] =	ssyncadd.s32 $0xFFFFE000  }
0x40: {  	[hbm4b:s11+s3] =	stream.linear.scatter [tilespmem:s17], [sflag:$0xC], $0x6000, $0x38;
	[tilespmem:$0x17400] =	vst v63  }
0x41: {  	_ =	swait.ge [sflag:s22], $0x2000  }
0x42: {  	[sflag:s22] =	ssyncset.done $0x0  }
0x43: {  	[sflag:s22] =	ssyncadd.s32 $0xFFFFE000  }
0x44: {  	_ =	swait.ge [sflag:s24], $0x2000  }
0x45: {  	[sflag:s24] =	ssyncset.done $0x0  }
0x46: {  	s10 =	sadd.s32 $0xFFFFF800, s8;
	[sflag:s24] =	ssyncadd.s32 $0xFFFFE000  }
0x47: {  	[hbm4b:s10+s3] =	stream.linear.scatter [tilespmem:s23], [sflag:$0xD], $0x4000, $0x38;
	[tilespmem:$0x17400] =	vst v63  }
0x48: {  	_ =	swait.ge [sflag:s26], $0x2000  }
0x49: {  	[sflag:s26] =	ssyncset.done $0x0  }
0x4a: {  	[sflag:s26] =	ssyncadd.s32 $0xFFFFE000  }
0x4b: {  	_ =	swait.ge [sflag:s29], $0x2000  }
0x4c: {  	[sflag:s29] =	ssyncset.done $0x0  }
0x4d: {  	[sflag:s29] =	ssyncadd.s32 $0xFFFFE000  }
0x4e: {  	_ =	swait.ge [sflag:s31], $0x2000  }
0x4f: {  	[sflag:s31] =	ssyncset.done $0x0  }
0x50: {  	[sflag:s31] =	ssyncadd.s32 $0xFFFFE000  }
0x51: {  	[hbm4b:s8+s3] =	stream.linear.scatter [tilespmem:s28], [sflag:$0xE], $0x6000, $0x38;
	[tilespmem:$0x17400] =	vst v63  }
0x52: {  	_ =	swait.ge [sflag:s4], $0x4000  }
0x53: {  	[sflag:s4] =	ssyncset.done $0x0  }
0x54: {  	[sflag:s4] =	ssyncadd.s32 $0xFFFFC000  }
0x55: {  	_ =	swait.ge [sflag:s5], $0x6000  }
0x56: {  	[sflag:s5] =	ssyncset.done $0x0  }
0x57: {  	s11 =	simm.s32 $0x500;
	[sflag:s5] =	ssyncadd.s32 $0xFFFFA000  }
0x58: {  	[tilespmem:s13], [sflag:$0x1] =	stream.indirect.gather [hbm4b:s1+s12], $0x80, s11, s12, $0xb8;
	[tilespmem:$0x17400] =	vst v63  }
0x59: {  	s10 =	simm.s32 $0x580  }
0x5a: {  	[tilespmem:s15], [sflag:$0x2] =	stream.indirect.gather [hbm4b:s1+s12], $0x80, s10, s12, $0xb8;
	[tilespmem:$0x17400] =	vst v63  }
0x5b: {  	s11 =	simm.s32 $0x600  }
0x5c: {  	[tilespmem:s17], [sflag:$0x3] =	stream.indirect.gather [hbm4b:s1+s12], $0x80, s11, s12, $0xb8;
	[tilespmem:$0x17400] =	vst v63  }
0x5d: {  	s10 =	simm.s32 $0x680  }
0x5e: {  	[tilespmem:s19], [sflag:$0x4] =	stream.indirect.gather [hbm4b:s1+s12], $0x80, s10, s12, $0xb8;
	[tilespmem:$0x17400] =	vst v63  }
0x5f: {  	s11 =	simm.s32 $0x700  }
0x60: {  	[tilespmem:s21], [sflag:$0x5] =	stream.indirect.gather [hbm4b:s1+s12], $0x80, s11, s12, $0xb8;
	[tilespmem:$0x17400] =	vst v63  }
0x61: {  	_ =	swait.ge [sflag:s6], $0x4000  }
0x62: {  	[sflag:s6] =	ssyncset.done $0x0  }
0x63: {  	[sflag:s6] =	ssyncadd.s32 $0xFFFFC000  }
0x64: {  	_ =	swait.ge [sflag:s7], $0x6000  }
0x65: {  	[sflag:s7] =	ssyncset.done $0x0  }
0x66: {  	s10 =	simm.s32 $0x780;
	[sflag:s7] =	ssyncadd.s32 $0xFFFFA000  }
0x67: {  	[tilespmem:s23], [sflag:$0x6] =	stream.indirect.gather [hbm4b:s1+s12], $0x80, s10, s12, $0xb8;
	[tilespmem:$0x17400] =	vst v63  }
0x68: {  	s11 =	simm.s32 $0x800  }
0x69: {  	[tilespmem:s25], [sflag:$0x7] =	stream.indirect.gather [hbm4b:s1+s12], $0x80, s11, s12, $0xb8;
	[tilespmem:$0x17400] =	vst v63  }
0x6a: {  	s10 =	simm.s32 $0x880  }
0x6b: {  	[tilespmem:s28], [sflag:$0x8] =	stream.indirect.gather [hbm4b:s1+s12], $0x80, s10, s12, $0xb8;
	[tilespmem:$0x17400] =	vst v63  }
0x6c: {  	s11 =	simm.s32 $0x900  }
0x6d: {  	[tilespmem:s30], [sflag:$0x9] =	stream.indirect.gather [hbm4b:s1+s12], $0x80, s11, s12, $0xb8;
	[tilespmem:$0x17400] =	vst v63  }
0x6e: {  	s9 =	simm.s32 $0x1400;
	s10 =	simm.s32 $0x980;
	s11 =	sadd.s32 $0x2800, s8  }
.LBB2_2:
0x6f: {  	[tilespmem:s2], [sflag:$0xA] =	stream.indirect.gather [hbm4b:s1+s12], $0x80, s10, s12, $0xb8;
	[tilespmem:$0x17400] =	vst v63  }
0x70: {  	s10 =	smov.u32 s9  }
0x71: {  	p0 =	sne.s32 s9, $0xA000;
	s9 =	sadd.s32 $0x1400, s9;
	_ =	swait.ge [sflag:s0], $0x2000  }
0x72: {  	[sflag:s0] =	ssyncset.done $0x0  }
0x73: {  	[sflag:s0] =	ssyncadd.s32 $0xFFFFE000  }
0x74: {  	_ =	swait.ge [sflag:s14], $0x2000  }
0x75: {  	[sflag:s14] =	ssyncset.done $0x0  }
0x76: {  	s8 =	sadd.s32 $0xFFFFE400, s11;
	[sflag:s14] =	ssyncadd.s32 $0xFFFFE000  }
0x77: {  	[hbm4b:s8+s3] =	stream.linear.scatter [tilespmem:s13], [sflag:$0xB], $0x4000, $0x38;
	[tilespmem:$0x17400] =	vst v63  }
0x78: {  	_ =	swait.ge [sflag:s16], $0x2000  }
0x79: {  	[sflag:s16] =	ssyncset.done $0x0  }
0x7a: {  	[sflag:s16] =	ssyncadd.s32 $0xFFFFE000  }
0x7b: {  	_ =	swait.ge [sflag:s18], $0x2000  }
0x7c: {  	[sflag:s18] =	ssyncset.done $0x0  }
0x7d: {  	[sflag:s18] =	ssyncadd.s32 $0xFFFFE000  }
0x7e: {  	_ =	swait.ge [sflag:s20], $0x2000  }
0x7f: {  	[sflag:s20] =	ssyncset.done $0x0  }
0x80: {  	s8 =	sadd.s32 $0xFFFFEC00, s11;
	[sflag:s20] =	ssyncadd.s32 $0xFFFFE000  }
0x81: {  	[hbm4b:s8+s3] =	stream.linear.scatter [tilespmem:s17], [sflag:$0xC], $0x6000, $0x38;
	[tilespmem:$0x17400] =	vst v63  }
0x82: {  	_ =	swait.ge [sflag:s22], $0x2000  }
0x83: {  	[sflag:s22] =	ssyncset.done $0x0  }
0x84: {  	[sflag:s22] =	ssyncadd.s32 $0xFFFFE000  }
0x85: {  	_ =	swait.ge [sflag:s24], $0x2000  }
0x86: {  	[sflag:s24] =	ssyncset.done $0x0  }
0x87: {  	s8 =	sadd.s32 $0xFFFFF800, s11;
	[sflag:s24] =	ssyncadd.s32 $0xFFFFE000  }
0x88: {  	[hbm4b:s8+s3] =	stream.linear.scatter [tilespmem:s23], [sflag:$0xD], $0x4000, $0x38;
	[tilespmem:$0x17400] =	vst v63  }
0x89: {  	_ =	swait.ge [sflag:s26], $0x2000  }
0x8a: {  	[sflag:s26] =	ssyncset.done $0x0  }
0x8b: {  	[sflag:s26] =	ssyncadd.s32 $0xFFFFE000  }
0x8c: {  	_ =	swait.ge [sflag:s29], $0x2000  }
0x8d: {  	[sflag:s29] =	ssyncset.done $0x0  }
0x8e: {  	[sflag:s29] =	ssyncadd.s32 $0xFFFFE000  }
0x8f: {  	_ =	swait.ge [sflag:s31], $0x2000  }
0x90: {  	[sflag:s31] =	ssyncset.done $0x0  }
0x91: {  	[sflag:s31] =	ssyncadd.s32 $0xFFFFE000  }
0x92: {  	[hbm4b:s11+s3] =	stream.linear.scatter [tilespmem:s28], [sflag:$0xE], $0x6000, $0x38;
	[tilespmem:$0x17400] =	vst v63  }
0x93: {  	_ =	swait.ge [sflag:s4], $0x4000  }
0x94: {  	[sflag:s4] =	ssyncset.done $0x0  }
0x95: {  	[sflag:s4] =	ssyncadd.s32 $0xFFFFC000  }
0x96: {  	_ =	swait.ge [sflag:s5], $0x6000  }
0x97: {  	s8 =	sshra.s32 s10, $0x2;
	[sflag:s5] =	ssyncset.done $0x0  }
0x98: {  	s10 =	sadd.s32 $0x500, s8;
	[sflag:s5] =	ssyncadd.s32 $0xFFFFA000  }
0x99: {  	[tilespmem:s13], [sflag:$0x1] =	stream.indirect.gather [hbm4b:s1+s12], $0x80, s10, s12, $0xb8;
	[tilespmem:$0x17400] =	vst v63  }
0x9a: {  	s10 =	sadd.s32 $0x580, s8  }
0x9b: {  	[tilespmem:s15], [sflag:$0x2] =	stream.indirect.gather [hbm4b:s1+s12], $0x80, s10, s12, $0xb8;
	[tilespmem:$0x17400] =	vst v63  }
0x9c: {  	s10 =	sadd.s32 $0x600, s8  }
0x9d: {  	[tilespmem:s17], [sflag:$0x3] =	stream.indirect.gather [hbm4b:s1+s12], $0x80, s10, s12, $0xb8;
	[tilespmem:$0x17400] =	vst v63  }
0x9e: {  	s10 =	sadd.s32 $0x680, s8  }
0x9f: {  	[tilespmem:s19], [sflag:$0x4] =	stream.indirect.gather [hbm4b:s1+s12], $0x80, s10, s12, $0xb8;
	[tilespmem:$0x17400] =	vst v63  }
0xa0: {  	s10 =	sadd.s32 $0x700, s8  }
0xa1: {  	[tilespmem:s21], [sflag:$0x5] =	stream.indirect.gather [hbm4b:s1+s12], $0x80, s10, s12, $0xb8;
	[tilespmem:$0x17400] =	vst v63  }
0xa2: {  	_ =	swait.ge [sflag:s6], $0x4000  }
0xa3: {  	[sflag:s6] =	ssyncset.done $0x0  }
0xa4: {  	[sflag:s6] =	ssyncadd.s32 $0xFFFFC000  }
0xa5: {  	_ =	swait.ge [sflag:s7], $0x6000  }
0xa6: {  	[sflag:s7] =	ssyncset.done $0x0  }
0xa7: {  	s10 =	sadd.s32 $0x780, s8;
	[sflag:s7] =	ssyncadd.s32 $0xFFFFA000  }
0xa8: {  	[tilespmem:s23], [sflag:$0x6] =	stream.indirect.gather [hbm4b:s1+s12], $0x80, s10, s12, $0xb8;
	[tilespmem:$0x17400] =	vst v63  }
0xa9: {  	s10 =	sadd.s32 $0x800, s8  }
0xaa: {  	[tilespmem:s25], [sflag:$0x7] =	stream.indirect.gather [hbm4b:s1+s12], $0x80, s10, s12, $0xb8;
	[tilespmem:$0x17400] =	vst v63  }
.Ltmp0:
0xab: {  	s10 =	sadd.s32 $0x880, s8;
	(pc) =	sbr.rel @p0 .LBB2_2-.Ltmp0, $4  }
0xac: {  	[tilespmem:s28], [sflag:$0x8] =	stream.indirect.gather [hbm4b:s1+s12], $0x80, s10, s12, $0xb8;
	[tilespmem:$0x17400] =	vst v63  }
0xad: {  	s10 =	sadd.s32 $0x900, s8  }
0xae: {  	[tilespmem:s30], [sflag:$0x9] =	stream.indirect.gather [hbm4b:s1+s12], $0x80, s10, s12, $0xb8;
	[tilespmem:$0x17400] =	vst v63  }
0xaf: {  	s11 =	sadd.s32 $0x2800, s11;
	s10 =	sadd.s32 $0x980, s8  }
0xb0: {  	[tilespmem:s2], [sflag:$0xA] =	stream.indirect.gather [hbm4b:s1+s12], $0x80, s10, s12, $0xb8;
	[tilespmem:$0x17400] =	vst v63  }
0xb1: {  	_ =	swait.ge [sflag:s0], $0x2000  }
0xb2: {  	[sflag:s0] =	ssyncset.done $0x0  }
0xb3: {  	[sflag:s0] =	ssyncadd.s32 $0xFFFFE000  }
0xb4: {  	_ =	swait.ge [sflag:s14], $0x2000  }
0xb5: {  	[sflag:s14] =	ssyncset.done $0x0  }
0xb6: {  	s8 =	rddreg [dreg:$0x5];
	[sflag:s14] =	ssyncadd.s32 $0xFFFFE000  }
0xb7: {  	[hbm4b:s8+s3] =	stream.linear.scatter [tilespmem:s13], [sflag:$0xB], $0x4000, $0x38;
	[tilespmem:$0x17400] =	vst v63  }
0xb8: {  	_ =	swait.ge [sflag:s16], $0x2000  }
0xb9: {  	[sflag:s16] =	ssyncset.done $0x0  }
0xba: {  	[sflag:s16] =	ssyncadd.s32 $0xFFFFE000  }
0xbb: {  	_ =	swait.ge [sflag:s18], $0x2000  }
0xbc: {  	[sflag:s18] =	ssyncset.done $0x0  }
0xbd: {  	[sflag:s18] =	ssyncadd.s32 $0xFFFFE000  }
0xbe: {  	_ =	swait.ge [sflag:s20], $0x2000  }
0xbf: {  	[sflag:s20] =	ssyncset.done $0x0  }
0xc0: {  	s11 =	rddreg [dreg:$0x6];
	[sflag:s20] =	ssyncadd.s32 $0xFFFFE000  }
0xc1: {  	[hbm4b:s11+s3] =	stream.linear.scatter [tilespmem:s17], [sflag:$0xC], $0x6000, $0x38;
	[tilespmem:$0x17400] =	vst v63  }
0xc2: {  	_ =	swait.ge [sflag:s22], $0x2000  }
0xc3: {  	[sflag:s22] =	ssyncset.done $0x0  }
0xc4: {  	[sflag:s22] =	ssyncadd.s32 $0xFFFFE000  }
0xc5: {  	_ =	swait.ge [sflag:s24], $0x2000  }
0xc6: {  	[sflag:s24] =	ssyncset.done $0x0  }
0xc7: {  	s9 =	rddreg [dreg:$0x7];
	[sflag:s24] =	ssyncadd.s32 $0xFFFFE000  }
0xc8: {  	[hbm4b:s9+s3] =	stream.linear.scatter [tilespmem:s23], [sflag:$0xD], $0x4000, $0x38;
	[tilespmem:$0x17400] =	vst v63  }
0xc9: {  	_ =	swait.ge [sflag:s26], $0x2000  }
0xca: {  	[sflag:s26] =	ssyncset.done $0x0  }
0xcb: {  	[sflag:s26] =	ssyncadd.s32 $0xFFFFE000  }
0xcc: {  	_ =	swait.ge [sflag:s29], $0x2000  }
0xcd: {  	[sflag:s29] =	ssyncset.done $0x0  }
0xce: {  	[sflag:s29] =	ssyncadd.s32 $0xFFFFE000  }
0xcf: {  	_ =	swait.ge [sflag:s31], $0x2000  }
0xd0: {  	[sflag:s31] =	ssyncset.done $0x0  }
0xd1: {  	s10 =	rddreg [dreg:$0x8];
	[sflag:s31] =	ssyncadd.s32 $0xFFFFE000  }
0xd2: {  	[hbm4b:s10+s3] =	stream.linear.scatter [tilespmem:s28], [sflag:$0xE], $0x6000, $0x38;
	[tilespmem:$0x17400] =	vst v63  }
0xd3: {  	_ =	swait.ge [sflag:s4], $0x4000  }
0xd4: {  	[sflag:s4] =	ssyncset.done $0x0  }
0xd5: {  	[sflag:s4] =	ssyncadd.s32 $0xFFFFC000  }
0xd6: {  	_ =	swait.ge [sflag:s5], $0x6000  }
0xd7: {  	[sflag:s5] =	ssyncset.done $0x0  }
0xd8: {  	[sflag:s5] =	ssyncadd.s32 $0xFFFFA000  }
0xd9: {  	_ =	swait.ge [sflag:s6], $0x4000  }
0xda: {  	[sflag:s6] =	ssyncset.done $0x0  }
0xdb: {  	[sflag:s6] =	ssyncadd.s32 $0xFFFFC000  }
0xdc: {  	_ =	swait.ge [sflag:s7], $0x6000  }
0xdd: {  	s9 =	rddreg [dreg:$0xb]  }
0xde: {  	s11 =	rddreg [dreg:$0x9];
	s9 =	sadd.s32 $0x1, s9  }
0xdf: {  	p0 =	sne.s32 s9, s11  }
.Ltmp1:
0xe0: {  	_ = 	snop;
	(pc) =	sbr.rel @p0 .LBB2_1-.Ltmp1, $3  }
0xe1: {  	_ =	sdelay $0x1  }
0xe2: {  	[sflag:s7] =	ssyncset.done $0x0  }
0xe3: {  	[sflag:s7] =	ssyncadd.s32 $0xFFFFA000  }
0xe4: {  	_ =	sfence.sel $0x180000  }
0xe5: {  	[bflag:$0x0] =	sbarrier.arrive $0xFFFF  }
0xe6: {  	_ =	strace $0x90000047  }
0xe7: {  	s0 =	stileid.u32;
	[bflag:$0x2] =	sbarrier.arrive $0xFFFF  }
0xe8: {  	p0 =	sne.s32 s0, $0x0;
	s0 =	rddreg [dreg:$0x3]  }
0xe9: {  	s0 =	sadd.s32 @!p0 $0x100000, s0  }
0xea: {  	[sflag:s0] =	ssyncadd.tile.s32 @!p0 $0x1;
	_ =	shalt  }
.Lfunc_end2:
_tile_overlayer_lowered:
.L_overlay_start_2:
0xeb: {  	(tag) =	ssettag $0x2  }
0xec: {  	s0 =	rddreg [dreg:$0x0];
	s2 =	stileid.u32  }
0xed: {  	s1 =	rddreg [dreg:$0x1];
	p0 =	sne.s32 s2, $0x0  }
0xee: {  	s3 =	rddreg [dreg:$0x2];
	[bflag:$0x3] =	sbarrier.arrive $0xFFFF;
	s2 =	simm.s32 @!p0 $0x1C0F  }
0xef: {  	[timem:s3], [sflag:s2] =	dma.local @!p0 [hbm:s0], s1  }
0xf0: {  	s0 =	simm.s32 @!p0 $0xF  }
0xf1: {  	_ =	swait.ge @!p0 [sflag:s0], s1  }
0xf2: {  	s1 =	ssub.s32 @!p0 $0x0, s1;
	[sflag:s0] =	ssyncset.done @!p0 $0x0  }
0xf3: {  	[sflag:s0] =	ssyncadd.s32 @!p0 s1  }
0xf4: {  	[bflag:$0x3] =	sbarrier.arrive $0xFFFF  }
0xf5: {  	_ =	shalt  }

</sc_bundles>
